<compile_context>
chip_gen: v7x
topology: tpu7x:2x2x1
jax: 0.10.2.dev20260603
libtpu: 0.0.44.dev20260713+nightly
codegen_flags: <defaults>
</compile_context>

<pallas_src>
import functools

import jax
import jax.numpy as jnp
from jax import lax
from jax.experimental import pallas as pl
from jax.experimental.pallas import tpu as pltpu
from jax.experimental.pallas import tpu_sc as plsc

N = 10000
D = 128
HD = D // 2
E = 320000

NC = 2
NS = 16
NW = NC * NS
CHUNK = 128

EW = E // NW
SLABD = 512
JD = EW // SLABD
TW = EW - JD * SLABD

ET = E // NS
JA = ET // CHUNK
TA = ET - JA * CHUNK
NBUF = 4

SPAN = 640
N_ACC = NS * SPAN

_mesh = plsc.VectorSubcoreMesh(core_axis_name="c", subcore_axis_name="s")


@functools.partial(
    pl.kernel,
    out_type=jax.ShapeDtypeStruct((NC * N_ACC,), jnp.float32),
    mesh=_mesh,
    compiler_params=pltpu.CompilerParams(use_tc_tiling_on_sc=False),
    scratch_types=[
        pltpu.VMEM((EW,), jnp.int32),
        pltpu.VMEM((SLABD,), jnp.float32),
        pltpu.VMEM((SPAN,), jnp.float32),
        pltpu.VMEM_SHARED((N_ACC,), jnp.float32),
    ],
)
def _sc_degree(ei_hbm, out_hbm, col_v, ones_v, zbuf_v, hist_sh):
    cid = lax.axis_index("c")
    sid = lax.axis_index("s")
    wid = sid * NC + cid
    ebase = wid * EW

    def _fill(i, _):
        zbuf_v[pl.ds(i * 16, 16)] = jnp.zeros((16,), jnp.float32)
        return 0

    lax.fori_loop(0, SPAN // 16, _fill, 0)

    def _fill1(i, _):
        ones_v[pl.ds(i * 16, 16)] = jnp.ones((16,), jnp.float32)
        return 0

    lax.fori_loop(0, SLABD // 16, _fill1, 0)

    pltpu.sync_copy(zbuf_v, hist_sh.at[pl.ds(sid * SPAN, SPAN)])
    plsc.subcore_barrier()

    pltpu.sync_copy(ei_hbm.at[1, pl.ds(ebase, JD * SLABD)],
                    col_v.at[pl.ds(0, JD * SLABD)])
    pltpu.sync_copy(ei_hbm.at[1, pl.ds(ebase + JD * SLABD, TW)],
                    col_v.at[pl.ds(JD * SLABD, TW)])

    def _scat(j, _):
        pltpu.sync_copy(ones_v, hist_sh.at[col_v.at[pl.ds(j * SLABD, SLABD)]],
                        add=True)
        return 0

    lax.fori_loop(0, JD, _scat, 0)
    pltpu.sync_copy(ones_v.at[pl.ds(0, TW)],
                    hist_sh.at[col_v.at[pl.ds(JD * SLABD, TW)]], add=True)
    plsc.subcore_barrier()

    pltpu.sync_copy(hist_sh.at[pl.ds(sid * SPAN, SPAN)], zbuf_v)
    pltpu.sync_copy(zbuf_v, out_hbm.at[pl.ds(cid * N_ACC + sid * SPAN, SPAN)])


@functools.partial(
    pl.kernel,
    out_type=jax.ShapeDtypeStruct((NC, N_ACC, HD), jnp.float32),
    mesh=_mesh,
    compiler_params=pltpu.CompilerParams(use_tc_tiling_on_sc=False),
    scratch_types=[
        pltpu.VMEM((ET,), jnp.int32),
        pltpu.VMEM((ET,), jnp.int32),
        [pltpu.VMEM((CHUNK, HD), jnp.float32) for _ in range(NBUF)],
        [pltpu.SemaphoreType.DMA for _ in range(NBUF)],
        pltpu.VMEM_SHARED((N_ACC, HD), jnp.float32),
    ],
)
def _sc_aggregate(gl_hbm, gr_hbm, ei_hbm, out_hbm,
                  row_v, col_v, bufs, sems, agg_sh):
    cid = lax.axis_index("c")
    sid = lax.axis_index("s")
    base = sid * SPAN
    ebase = sid * ET

    def _zrow(r, _):
        for i in range(HD // 16):
            bufs[0][r, pl.ds(i * 16, 16)] = jnp.zeros((16,), jnp.float32)
        return 0

    lax.fori_loop(0, CHUNK, _zrow, 0)
    for k in range(SPAN // CHUNK):
        pltpu.sync_copy(bufs[0], agg_sh.at[pl.ds(base + k * CHUNK, CHUNK), :])
    plsc.subcore_barrier()

    pltpu.sync_copy(ei_hbm.at[0, pl.ds(ebase, JA * CHUNK)],
                    row_v.at[pl.ds(0, JA * CHUNK)])
    pltpu.sync_copy(ei_hbm.at[0, pl.ds(ebase + JA * CHUNK, TA)],
                    row_v.at[pl.ds(JA * CHUNK, TA)])
    pltpu.sync_copy(ei_hbm.at[1, pl.ds(ebase, JA * CHUNK)],
                    col_v.at[pl.ds(0, JA * CHUNK)])
    pltpu.sync_copy(ei_hbm.at[1, pl.ds(ebase + JA * CHUNK, TA)],
                    col_v.at[pl.ds(JA * CHUNK, TA)])

    def _run(g_hbm):
        for t in range(NBUF):
            pltpu.async_copy(g_hbm.at[row_v.at[pl.ds(t * CHUNK, CHUNK)]],
                             bufs[t], sems[t])

        def _step(i, _):
            for t in range(NBUF):
                j = i * NBUF + t
                pltpu.make_async_copy(
                    g_hbm.at[row_v.at[pl.ds(0, CHUNK)]], bufs[t],
                    sems[t]).wait()
                pltpu.sync_copy(bufs[t],
                                agg_sh.at[col_v.at[pl.ds(j * CHUNK, CHUNK)]],
                                add=True)

                @pl.when(j + NBUF < JA)
                def _():
                    pltpu.async_copy(
                        g_hbm.at[row_v.at[pl.ds((j + NBUF) * CHUNK, CHUNK)]],
                        bufs[t], sems[t])
            return 0

        lax.fori_loop(0, JA // NBUF, _step, 0)

        pltpu.sync_copy(g_hbm.at[row_v.at[pl.ds(JA * CHUNK, TA)]],
                        bufs[0].at[pl.ds(0, TA), :])
        pltpu.sync_copy(bufs[0].at[pl.ds(0, TA), :],
                        agg_sh.at[col_v.at[pl.ds(JA * CHUNK, TA)]], add=True)

    @pl.when(cid == 0)
    def _():
        _run(gl_hbm)

    @pl.when(cid == 1)
    def _():
        _run(gr_hbm)

    plsc.subcore_barrier()
    for k in range(SPAN // CHUNK):
        t = k % NBUF
        pltpu.sync_copy(agg_sh.at[pl.ds(base + k * CHUNK, CHUNK), :], bufs[t])
        pltpu.sync_copy(bufs[t], out_hbm.at[cid, pl.ds(base + k * CHUNK,
                                                       CHUNK), :])


def _tc_matmul_body(x_ref, w_ref, h_ref):
    h_ref[...] = jnp.dot(x_ref[...], w_ref[...],
                         preferred_element_type=jnp.float32)


def _tc_transform_body(h_ref, hs_ref, gl_ref, gr_ref):
    dis = lax.rsqrt(hs_ref[...] + 1.0)
    g = h_ref[...] * dis
    gl_ref[...] = g[:, :HD]
    gr_ref[...] = g[:, HD:]


def _tc_bn_body(agg_ref, gl_ref, gr_ref, hs_ref, b_ref, gam_ref,
                bet_ref, out_ref):
    dis = lax.rsqrt(hs_ref[...] + 1.0)
    agg = jnp.concatenate([agg_ref[0, :N, :] + gl_ref[...],
                           agg_ref[1, :N, :] + gr_ref[...]], axis=1)
    pre = dis * agg + b_ref[...]
    mean = jnp.mean(pre, axis=0, keepdims=True)
    d = pre - mean
    var = jnp.mean(d * d, axis=0, keepdims=True)
    out = d * lax.rsqrt(var + 1e-5) * gam_ref[...] + bet_ref[...]
    out_ref[...] = jnp.maximum(out, 0.0)


def kernel(x, edge_index, W, b, gamma, beta):
    hist = _sc_degree(edge_index)
    hs = (hist[:N] + hist[N_ACC:N_ACC + N]).reshape(N, 1)

    h = pl.pallas_call(
        _tc_matmul_body,
        out_shape=jax.ShapeDtypeStruct((N, D), jnp.float32),
    )(x, W)

    gl, gr = pl.pallas_call(
        _tc_transform_body,
        out_shape=(
            jax.ShapeDtypeStruct((N, HD), jnp.float32),
            jax.ShapeDtypeStruct((N, HD), jnp.float32),
        ),
    )(h, hs)

    agg = _sc_aggregate(gl, gr, edge_index)

    out = pl.pallas_call(
        _tc_bn_body,
        out_shape=jax.ShapeDtypeStruct((N, D), jnp.float32),
    )(agg, gl, gr, hs, b.reshape(1, D), gamma.reshape(1, D),
      beta.reshape(1, D))
    return out

# --- scband reference (transcript-rebuilt; emitter-appended) ---
"""Pipeline reference for scband-gcn-80479097192742 (READ-ONLY COPY).

The authoritative reference and input builder live on the scoring server;
editing this copy changes nothing except your own understanding.
"""

import jax, jax.numpy as jnp
import numpy as np

N = 10000
E = 320000
D_IN = 128
D_H = 128


def setup_inputs(seed: int = 0):
    key = jax.random.key(seed)
    k1, k2, k3, k4 = jax.random.split(key, 4)
    x = jax.random.normal(k1, (N, D_IN), dtype=jnp.float32)
    edge_index = jax.random.randint(k2, (2, E), 0, N, dtype=jnp.int32)
    W = jax.random.normal(k3, (D_IN, D_H), dtype=jnp.float32) * 0.05
    b = jnp.zeros((D_H,), dtype=jnp.float32)
    gamma = jnp.ones((D_H,), dtype=jnp.float32)
    beta = jnp.zeros((D_H,), dtype=jnp.float32)
    return {"x": x, "edge_index": edge_index, "W": W, "b": b, "gamma": gamma, "beta": beta}


def reference(x, edge_index, W, b, gamma, beta):
    n = x.shape[0]
    # GCNConv: add self-loops, symmetric normalization, linear transform, scatter-add aggregate
    loops = jnp.arange(n, dtype=edge_index.dtype)
    row = jnp.concatenate([edge_index[0], loops])  # source nodes
    col = jnp.concatenate([edge_index[1], loops])  # destination nodes
    h = x @ W
    ones = jnp.ones(row.shape[0], dtype=h.dtype)
    deg = jax.ops.segment_sum(ones, col, num_segments=n)
    deg_inv_sqrt = jnp.where(deg > 0, jax.lax.rsqrt(jnp.maximum(deg, 1e-12)), 0.0)
    norm = deg_inv_sqrt[row] * deg_inv_sqrt[col]
    msg = h[row] * norm[:, None]
    out = jax.ops.segment_sum(msg, col, num_segments=n) + b
    # BatchNorm1d (batch statistics, deterministic)
    mean = jnp.mean(out, axis=0)
    var = jnp.var(out, axis=0)
    out = (out - mean) * jax.lax.rsqrt(var + 1e-5) * gamma + beta
    # ReLU (dropout is identity in eval / deterministic reference)
    return jax.nn.relu(out)

if __name__ == "__main__":
    import jax
    _d = setup_inputs()
    print(jax.jit(kernel)(*tuple(_d.values())))

</pallas_src>

<mosaic_0001>
#map = affine_map<(d0, d1) -> (0, 0)>
#map1 = affine_map<(d0, d1) -> (0)>
module attributes {stable_mosaic.version = 14 : i64} {
  func.func @_sc_degree(%arg0: i32, %arg1: i32, %arg2: memref<2x320000xi32, #tpu.memory_space<hbm>>, %arg3: memref<20480xf32, #tpu.memory_space<hbm>>, %arg4: memref<10000xi32, #tpu.memory_space<vmem>>, %arg5: memref<512xf32, #tpu.memory_space<vmem>>, %arg6: memref<640xf32, #tpu.memory_space<vmem>>, %arg7: memref<10240xf32, #tpu.memory_space<vmem_shared>>) attributes {dimension_semantics = [#tpu.dimension_semantics<core_parallel>, #tpu.dimension_semantics<subcore_parallel>], iteration_bounds = array<i64: 2, 16>, scalar_prefetch = 0 : i64, scratch_operands = 4 : i64, tpu.core_type = #tpu.core_type<sc_vector_subcore>, window_params = [{transform_indices = #map}, {transform_indices = #map1}]} {
    %mul3A = arith.constant 2 : i32
    %mul3A_0 = arith.muli %arg1, %mul3A : i32
    %add3A = arith.addi %mul3A_0, %arg0 : i32
    %mul3A_1 = arith.constant 10000 : i32
    %mul3A_2 = arith.muli %add3A, %mul3A_1 : i32
    %scan3A = arith.constant 0 : i32
    %scan3A_3 = arith.constant 0 : i32
    %scan3A_4 = arith.constant 40 : i32
    %scan3A_5 = arith.addi %scan3A_3, %scan3A_4 : i32
    %scan3A_6 = arith.constant 1 : i32
    %scan3A_7 = scf.for %scan3A_36 = %scan3A_3 to %scan3A_5 step %scan3A_6 iter_args(%scan3A_37 = %scan3A) -> (i32)  : i32 {
      %broadcast_in_dim3A = arith.constant 0.000000e+00 : f32
      %broadcast_in_dim3A_38 = vector.broadcast %broadcast_in_dim3A : f32 to vector<16xf32>
      %mul3A_39 = arith.constant 16 : i32
      %mul3A_40 = arith.muli %scan3A_36, %mul3A_39 : i32
      %swap3A = arith.index_cast %mul3A_40 : i32 to index
      %swap3A_41 = tpu.vector_load %arg6[%swap3A] {strides = array<i32>} : memref<640xf32, #tpu.memory_space<vmem>>, vector<16xf32>,
      %swap3A_42 = vector.shape_cast %swap3A_41 : vector<16xf32> to vector<16xf32>
      %swap3A_43 = vector.shape_cast %broadcast_in_dim3A_38 : vector<16xf32> to vector<16xf32>
      tpu.vector_store %arg6[%swap3A], %swap3A_43 {strides = array<i32>} : memref<640xf32, #tpu.memory_space<vmem>>, vector<16xf32>,
      %scan3A_44 = arith.constant 0 : i32
      scf.yield %scan3A_44 : i32
    }
    %scan3A_8 = arith.constant 40 : i32
    %scan3A_9 = arith.constant 0 : i32
    %scan3A_10 = arith.constant 0 : i32
    %scan3A_11 = arith.constant 32 : i32
    %scan3A_12 = arith.addi %scan3A_10, %scan3A_11 : i32
    %scan3A_13 = arith.constant 1 : i32
    %scan3A_14 = scf.for %scan3A_36 = %scan3A_10 to %scan3A_12 step %scan3A_13 iter_args(%scan3A_37 = %scan3A_9) -> (i32)  : i32 {
      %broadcast_in_dim3A = arith.constant 1.000000e+00 : f32
      %broadcast_in_dim3A_38 = vector.broadcast %broadcast_in_dim3A : f32 to vector<16xf32>
      %mul3A_39 = arith.constant 16 : i32
      %mul3A_40 = arith.muli %scan3A_36, %mul3A_39 : i32
      %swap3A = arith.index_cast %mul3A_40 : i32 to index
      %swap3A_41 = tpu.vector_load %arg5[%swap3A] {strides = array<i32>} : memref<512xf32, #tpu.memory_space<vmem>>, vector<16xf32>,
      %swap3A_42 = vector.shape_cast %swap3A_41 : vector<16xf32> to vector<16xf32>
      %swap3A_43 = vector.shape_cast %broadcast_in_dim3A_38 : vector<16xf32> to vector<16xf32>
      tpu.vector_store %arg5[%swap3A], %swap3A_43 {strides = array<i32>} : memref<512xf32, #tpu.memory_space<vmem>>, vector<16xf32>,
      %scan3A_44 = arith.constant 0 : i32
      scf.yield %scan3A_44 : i32
    }
    %scan3A_15 = arith.constant 32 : i32
    %mul3A_16 = arith.constant 640 : i32
    %mul3A_17 = arith.muli %arg1, %mul3A_16 : i32
    "tpu.region"() ({
      %run_scoped3A_36 = tpu.sem_alloc : memref<!tpu.dma_semaphore, #tpu.memory_space<semaphore_mem>>
      %dma_start3A = tpu.memref_slice %arg7[%mul3A_17] : memref<10240xf32, #tpu.memory_space<vmem_shared>> -> memref<640xf32, #tpu.memory_space<vmem_shared>>
      %dma_start3A_37 = tpu.memref_slice %arg7[%mul3A_17] : memref<10240xf32, #tpu.memory_space<vmem_shared>> -> memref<640xf32, #tpu.memory_space<vmem_shared>>
      tpu.enqueue_dma source(%arg6 : memref<640xf32, #tpu.memory_space<vmem>>) target(%dma_start3A_37 : memref<640xf32, #tpu.memory_space<vmem_shared>>) target_semaphore(%run_scoped3A_36 : memref<!tpu.dma_semaphore, #tpu.memory_space<semaphore_mem>>)
      %dma_wait3A = tpu.memref_slice %arg7[%mul3A_17] : memref<10240xf32, #tpu.memory_space<vmem_shared>> -> memref<640xf32, #tpu.memory_space<vmem_shared>>
      %dma_wait3A_38 = tpu.memref_slice %arg7[%mul3A_17] : memref<10240xf32, #tpu.memory_space<vmem_shared>> -> memref<640xf32, #tpu.memory_space<vmem_shared>>
      tpu.wait_dma2 semaphore(%run_scoped3A_36 : memref<!tpu.dma_semaphore, #tpu.memory_space<semaphore_mem>>) src(%arg6 : memref<640xf32, #tpu.memory_space<vmem>>) dst(%dma_wait3A_38 : memref<640xf32, #tpu.memory_space<vmem_shared>>)
      tpu.yield
    }) : () -> ()
    %barrier3A = arith.constant 0 : index
    tpu.barrier barrier_id(%barrier3A)
    %run_scoped3A = arith.constant 1 : i32
    "tpu.region"() ({
      %run_scoped3A_36 = tpu.sem_alloc : memref<!tpu.dma_semaphore, #tpu.memory_space<semaphore_mem>>
      %dma_start3A = arith.constant 0 : i32
      %dma_start3A_37 = tpu.memref_slice %arg4[%dma_start3A] : memref<10000xi32, #tpu.memory_space<vmem>> -> memref<9728xi32, #tpu.memory_space<vmem>>
      %dma_start3A_38 = tpu.memref_slice %arg2[%run_scoped3A, %mul3A_2] : memref<2x320000xi32, #tpu.memory_space<hbm>> -> memref<1x9728xi32, #tpu.memory_space<hbm>>
      %dma_start3A_39 = tpu.memref_squeeze %dma_start3A_38 : memref<1x9728xi32, #tpu.memory_space<hbm>> -> memref<9728xi32, #tpu.memory_space<hbm>>
      %dma_start3A_40 = arith.constant 0 : i32
      %dma_start3A_41 = tpu.memref_slice %arg4[%dma_start3A_40] : memref<10000xi32, #tpu.memory_space<vmem>> -> memref<9728xi32, #tpu.memory_space<vmem>>
      %dma_start3A_42 = tpu.memref_slice %arg2[%run_scoped3A, %mul3A_2] : memref<2x320000xi32, #tpu.memory_space<hbm>> -> memref<1x9728xi32, #tpu.memory_space<hbm>>
      %dma_start3A_43 = tpu.memref_squeeze %dma_start3A_42 : memref<1x9728xi32, #tpu.memory_space<hbm>> -> memref<9728xi32, #tpu.memory_space<hbm>>
      tpu.enqueue_dma source(%dma_start3A_43 : memref<9728xi32, #tpu.memory_space<hbm>>) target(%dma_start3A_41 : memref<9728xi32, #tpu.memory_space<vmem>>) target_semaphore(%run_scoped3A_36 : memref<!tpu.dma_semaphore, #tpu.memory_space<semaphore_mem>>)
      %dma_wait3A = arith.constant 0 : i32
      %dma_wait3A_44 = tpu.memref_slice %arg4[%dma_wait3A] : memref<10000xi32, #tpu.memory_space<vmem>> -> memref<9728xi32, #tpu.memory_space<vmem>>
      %dma_wait3A_45 = tpu.memref_slice %arg2[%run_scoped3A, %mul3A_2] : memref<2x320000xi32, #tpu.memory_space<hbm>> -> memref<1x9728xi32, #tpu.memory_space<hbm>>
      %dma_wait3A_46 = tpu.memref_squeeze %dma_wait3A_45 : memref<1x9728xi32, #tpu.memory_space<hbm>> -> memref<9728xi32, #tpu.memory_space<hbm>>
      %dma_wait3A_47 = arith.constant 0 : i32
      %dma_wait3A_48 = tpu.memref_slice %arg4[%dma_wait3A_47] : memref<10000xi32, #tpu.memory_space<vmem>> -> memref<9728xi32, #tpu.memory_space<vmem>>
      %dma_wait3A_49 = tpu.memref_slice %arg2[%run_scoped3A, %mul3A_2] : memref<2x320000xi32, #tpu.memory_space<hbm>> -> memref<1x9728xi32, #tpu.memory_space<hbm>>
      %dma_wait3A_50 = tpu.memref_squeeze %dma_wait3A_49 : memref<1x9728xi32, #tpu.memory_space<hbm>> -> memref<9728xi32, #tpu.memory_space<hbm>>
      tpu.wait_dma2 semaphore(%run_scoped3A_36 : memref<!tpu.dma_semaphore, #tpu.memory_space<semaphore_mem>>) src(%dma_wait3A_50 : memref<9728xi32, #tpu.memory_space<hbm>>) dst(%dma_wait3A_48 : memref<9728xi32, #tpu.memory_space<vmem>>)
      tpu.yield
    }) : () -> ()
    %add3A_18 = arith.constant 9728 : i32
    %add3A_19 = arith.addi %mul3A_2, %add3A_18 : i32
    %run_scoped3A_20 = arith.constant 1 : i32
    "tpu.region"() ({
      %run_scoped3A_36 = tpu.sem_alloc : memref<!tpu.dma_semaphore, #tpu.memory_space<semaphore_mem>>
      %dma_start3A = arith.constant 9728 : i32
      %dma_start3A_37 = tpu.memref_slice %arg4[%dma_start3A] : memref<10000xi32, #tpu.memory_space<vmem>> -> memref<272xi32, #tpu.memory_space<vmem>>
      %dma_start3A_38 = tpu.memref_slice %arg2[%run_scoped3A_20, %add3A_19] : memref<2x320000xi32, #tpu.memory_space<hbm>> -> memref<1x272xi32, #tpu.memory_space<hbm>>
      %dma_start3A_39 = tpu.memref_squeeze %dma_start3A_38 : memref<1x272xi32, #tpu.memory_space<hbm>> -> memref<272xi32, #tpu.memory_space<hbm>>
      %dma_start3A_40 = arith.constant 9728 : i32
      %dma_start3A_41 = tpu.memref_slice %arg4[%dma_start3A_40] : memref<10000xi32, #tpu.memory_space<vmem>> -> memref<272xi32, #tpu.memory_space<vmem>>
      %dma_start3A_42 = tpu.memref_slice %arg2[%run_scoped3A_20, %add3A_19] : memref<2x320000xi32, #tpu.memory_space<hbm>> -> memref<1x272xi32, #tpu.memory_space<hbm>>
      %dma_start3A_43 = tpu.memref_squeeze %dma_start3A_42 : memref<1x272xi32, #tpu.memory_space<hbm>> -> memref<272xi32, #tpu.memory_space<hbm>>
      tpu.enqueue_dma source(%dma_start3A_43 : memref<272xi32, #tpu.memory_space<hbm>>) target(%dma_start3A_41 : memref<272xi32, #tpu.memory_space<vmem>>) target_semaphore(%run_scoped3A_36 : memref<!tpu.dma_semaphore, #tpu.memory_space<semaphore_mem>>)
      %dma_wait3A = arith.constant 9728 : i32
      %dma_wait3A_44 = tpu.memref_slice %arg4[%dma_wait3A] : memref<10000xi32, #tpu.memory_space<vmem>> -> memref<272xi32, #tpu.memory_space<vmem>>
      %dma_wait3A_45 = tpu.memref_slice %arg2[%run_scoped3A_20, %add3A_19] : memref<2x320000xi32, #tpu.memory_space<hbm>> -> memref<1x272xi32, #tpu.memory_space<hbm>>
      %dma_wait3A_46 = tpu.memref_squeeze %dma_wait3A_45 : memref<1x272xi32, #tpu.memory_space<hbm>> -> memref<272xi32, #tpu.memory_space<hbm>>
      %dma_wait3A_47 = arith.constant 9728 : i32
      %dma_wait3A_48 = tpu.memref_slice %arg4[%dma_wait3A_47] : memref<10000xi32, #tpu.memory_space<vmem>> -> memref<272xi32, #tpu.memory_space<vmem>>
      %dma_wait3A_49 = tpu.memref_slice %arg2[%run_scoped3A_20, %add3A_19] : memref<2x320000xi32, #tpu.memory_space<hbm>> -> memref<1x272xi32, #tpu.memory_space<hbm>>
      %dma_wait3A_50 = tpu.memref_squeeze %dma_wait3A_49 : memref<1x272xi32, #tpu.memory_space<hbm>> -> memref<272xi32, #tpu.memory_space<hbm>>
      tpu.wait_dma2 semaphore(%run_scoped3A_36 : memref<!tpu.dma_semaphore, #tpu.memory_space<semaphore_mem>>) src(%dma_wait3A_50 : memref<272xi32, #tpu.memory_space<hbm>>) dst(%dma_wait3A_48 : memref<272xi32, #tpu.memory_space<vmem>>)
      tpu.yield
    }) : () -> ()
    %scan3A_21 = arith.constant 0 : i32
    %scan3A_22 = arith.constant 0 : i32
    %scan3A_23 = arith.constant 19 : i32
    %scan3A_24 = arith.addi %scan3A_22, %scan3A_23 : i32
    %scan3A_25 = arith.constant 1 : i32
    %scan3A_26 = scf.for %scan3A_36 = %scan3A_22 to %scan3A_24 step %scan3A_25 iter_args(%scan3A_37 = %scan3A_21) -> (i32)  : i32 {
      %mul3A_38 = arith.constant 512 : i32
      %mul3A_39 = arith.muli %scan3A_36, %mul3A_38 : i32
      "tpu.region"() ({
        %run_scoped3A_41 = tpu.sem_alloc : memref<!tpu.dma_semaphore, #tpu.memory_space<semaphore_mem>>
        %dma_start3A = tpu.memref_slice %arg4[%mul3A_39] : memref<10000xi32, #tpu.memory_space<vmem>> -> memref<512xi32, #tpu.memory_space<vmem>>
        %dma_start3A_42 = arith.constant 0 : i32
        %dma_start3A_43 = tpu.memref_slice %arg7[%dma_start3A_42] : memref<10240xf32, #tpu.memory_space<vmem_shared>> -> memref<10240xf32, #tpu.memory_space<vmem_shared>>
        tpu.enqueue_indirect_dma source(%arg5 : memref<512xf32, #tpu.memory_space<vmem>>) target(%dma_start3A_43 : memref<10240xf32, #tpu.memory_space<vmem_shared>>) offsets(%dma_start3A : memref<512xi32, #tpu.memory_space<vmem>>) semaphore(%run_scoped3A_41 : memref<!tpu.dma_semaphore, #tpu.memory_space<semaphore_mem>>) {add = true}
        %dma_wait3A = tpu.memref_slice %arg4[%mul3A_39] : memref<10000xi32, #tpu.memory_space<vmem>> -> memref<512xi32, #tpu.memory_space<vmem>>
        %dma_wait3A_44 = arith.constant 0 : i32
        %dma_wait3A_45 = tpu.memref_slice %arg7[%dma_wait3A_44] : memref<10240xf32, #tpu.memory_space<vmem_shared>> -> memref<10240xf32, #tpu.memory_space<vmem_shared>>
        tpu.wait_indirect_dma semaphore(%run_scoped3A_41 : memref<!tpu.dma_semaphore, #tpu.memory_space<semaphore_mem>>) src(%arg5 : memref<512xf32, #tpu.memory_space<vmem>>) dst(%dma_wait3A_45 : memref<10240xf32, #tpu.memory_space<vmem_shared>>)
        tpu.yield
      }) : () -> ()
      %scan3A_40 = arith.constant 0 : i32
      scf.yield %scan3A_40 : i32
    }
    %scan3A_27 = arith.constant 19 : i32
    "tpu.region"() ({
      %run_scoped3A_36 = tpu.sem_alloc : memref<!tpu.dma_semaphore, #tpu.memory_space<semaphore_mem>>
      %dma_start3A = arith.constant 0 : i32
      %dma_start3A_37 = tpu.memref_slice %arg5[%dma_start3A] : memref<512xf32, #tpu.memory_space<vmem>> -> memref<272xf32, #tpu.memory_space<vmem>>
      %dma_start3A_38 = arith.constant 9728 : i32
      %dma_start3A_39 = tpu.memref_slice %arg4[%dma_start3A_38] : memref<10000xi32, #tpu.memory_space<vmem>> -> memref<272xi32, #tpu.memory_space<vmem>>
      %dma_start3A_40 = arith.constant 0 : i32
      %dma_start3A_41 = tpu.memref_slice %arg7[%dma_start3A_40] : memref<10240xf32, #tpu.memory_space<vmem_shared>> -> memref<10240xf32, #tpu.memory_space<vmem_shared>>
      tpu.enqueue_indirect_dma source(%dma_start3A_37 : memref<272xf32, #tpu.memory_space<vmem>>) target(%dma_start3A_41 : memref<10240xf32, #tpu.memory_space<vmem_shared>>) offsets(%dma_start3A_39 : memref<272xi32, #tpu.memory_space<vmem>>) semaphore(%run_scoped3A_36 : memref<!tpu.dma_semaphore, #tpu.memory_space<semaphore_mem>>) {add = true}
      %dma_wait3A = arith.constant 0 : i32
      %dma_wait3A_42 = tpu.memref_slice %arg5[%dma_wait3A] : memref<512xf32, #tpu.memory_space<vmem>> -> memref<272xf32, #tpu.memory_space<vmem>>
      %dma_wait3A_43 = arith.constant 9728 : i32
      %dma_wait3A_44 = tpu.memref_slice %arg4[%dma_wait3A_43] : memref<10000xi32, #tpu.memory_space<vmem>> -> memref<272xi32, #tpu.memory_space<vmem>>
      %dma_wait3A_45 = arith.constant 0 : i32
      %dma_wait3A_46 = tpu.memref_slice %arg7[%dma_wait3A_45] : memref<10240xf32, #tpu.memory_space<vmem_shared>> -> memref<10240xf32, #tpu.memory_space<vmem_shared>>
      tpu.wait_indirect_dma semaphore(%run_scoped3A_36 : memref<!tpu.dma_semaphore, #tpu.memory_space<semaphore_mem>>) src(%dma_wait3A_42 : memref<272xf32, #tpu.memory_space<vmem>>) dst(%dma_wait3A_46 : memref<10240xf32, #tpu.memory_space<vmem_shared>>)
      tpu.yield
    }) : () -> ()
    %barrier3A_28 = arith.constant 0 : index
    tpu.barrier barrier_id(%barrier3A_28)
    %mul3A_29 = arith.constant 640 : i32
    %mul3A_30 = arith.muli %arg1, %mul3A_29 : i32
    "tpu.region"() ({
      %run_scoped3A_36 = tpu.sem_alloc : memref<!tpu.dma_semaphore, #tpu.memory_space<semaphore_mem>>
      %dma_start3A = tpu.memref_slice %arg7[%mul3A_30] : memref<10240xf32, #tpu.memory_space<vmem_shared>> -> memref<640xf32, #tpu.memory_space<vmem_shared>>
      %dma_start3A_37 = tpu.memref_slice %arg7[%mul3A_30] : memref<10240xf32, #tpu.memory_space<vmem_shared>> -> memref<640xf32, #tpu.memory_space<vmem_shared>>
      tpu.enqueue_dma source(%dma_start3A_37 : memref<640xf32, #tpu.memory_space<vmem_shared>>) target(%arg6 : memref<640xf32, #tpu.memory_space<vmem>>) target_semaphore(%run_scoped3A_36 : memref<!tpu.dma_semaphore, #tpu.memory_space<semaphore_mem>>)
      %dma_wait3A = tpu.memref_slice %arg7[%mul3A_30] : memref<10240xf32, #tpu.memory_space<vmem_shared>> -> memref<640xf32, #tpu.memory_space<vmem_shared>>
      %dma_wait3A_38 = tpu.memref_slice %arg7[%mul3A_30] : memref<10240xf32, #tpu.memory_space<vmem_shared>> -> memref<640xf32, #tpu.memory_space<vmem_shared>>
      tpu.wait_dma2 semaphore(%run_scoped3A_36 : memref<!tpu.dma_semaphore, #tpu.memory_space<semaphore_mem>>) src(%dma_wait3A_38 : memref<640xf32, #tpu.memory_space<vmem_shared>>) dst(%arg6 : memref<640xf32, #tpu.memory_space<vmem>>)
      tpu.yield
    }) : () -> ()
    %mul3A_31 = arith.constant 10240 : i32
    %mul3A_32 = arith.muli %arg0, %mul3A_31 : i32
    %mul3A_33 = arith.constant 640 : i32
    %mul3A_34 = arith.muli %arg1, %mul3A_33 : i32
    %add3A_35 = arith.addi %mul3A_32, %mul3A_34 : i32
    "tpu.region"() ({
      %run_scoped3A_36 = tpu.sem_alloc : memref<!tpu.dma_semaphore, #tpu.memory_space<semaphore_mem>>
      %dma_start3A = tpu.memref_slice %arg3[%add3A_35] : memref<20480xf32, #tpu.memory_space<hbm>> -> memref<640xf32, #tpu.memory_space<hbm>>
      %dma_start3A_37 = tpu.memref_slice %arg3[%add3A_35] : memref<20480xf32, #tpu.memory_space<hbm>> -> memref<640xf32, #tpu.memory_space<hbm>>
      tpu.enqueue_dma source(%arg6 : memref<640xf32, #tpu.memory_space<vmem>>) target(%dma_start3A_37 : memref<640xf32, #tpu.memory_space<hbm>>) target_semaphore(%run_scoped3A_36 : memref<!tpu.dma_semaphore, #tpu.memory_space<semaphore_mem>>)
      %dma_wait3A = tpu.memref_slice %arg3[%add3A_35] : memref<20480xf32, #tpu.memory_space<hbm>> -> memref<640xf32, #tpu.memory_space<hbm>>
      %dma_wait3A_38 = tpu.memref_slice %arg3[%add3A_35] : memref<20480xf32, #tpu.memory_space<hbm>> -> memref<640xf32, #tpu.memory_space<hbm>>
      tpu.wait_dma2 semaphore(%run_scoped3A_36 : memref<!tpu.dma_semaphore, #tpu.memory_space<semaphore_mem>>) src(%arg6 : memref<640xf32, #tpu.memory_space<vmem>>) dst(%dma_wait3A_38 : memref<640xf32, #tpu.memory_space<hbm>>)
      tpu.yield
    }) : () -> ()
    return
  }
}

#map = affine_map<(d0, d1) -> (0, 0)>
#map1 = affine_map<(d0, d1) -> (0, 0, 0)>
module attributes {stable_mosaic.version = 14 : i64} {
  func.func @_sc_aggregate(%arg0: i32, %arg1: i32, %arg2: memref<10000x64xf32, #tpu.memory_space<hbm>>, %arg3: memref<10000x64xf32, #tpu.memory_space<hbm>>, %arg4: memref<2x320000xi32, #tpu.memory_space<hbm>>, %arg5: memref<2x10240x64xf32, #tpu.memory_space<hbm>>, %arg6: memref<20000xi32, #tpu.memory_space<vmem>>, %arg7: memref<20000xi32, #tpu.memory_space<vmem>>, %arg8: memref<128x64xf32, #tpu.memory_space<vmem>>, %arg9: memref<128x64xf32, #tpu.memory_space<vmem>>, %arg10: memref<128x64xf32, #tpu.memory_space<vmem>>, %arg11: memref<128x64xf32, #tpu.memory_space<vmem>>, %arg12: memref<!tpu.dma_semaphore, #tpu.memory_space<semaphore_mem>>, %arg13: memref<!tpu.dma_semaphore, #tpu.memory_space<semaphore_mem>>, %arg14: memref<!tpu.dma_semaphore, #tpu.memory_space<semaphore_mem>>, %arg15: memref<!tpu.dma_semaphore, #tpu.memory_space<semaphore_mem>>, %arg16: memref<10240x64xf32, #tpu.memory_space<vmem_shared>>) attributes {dimension_semantics = [#tpu.dimension_semantics<core_parallel>, #tpu.dimension_semantics<subcore_parallel>], iteration_bounds = array<i64: 2, 16>, scalar_prefetch = 0 : i64, scratch_operands = 11 : i64, tpu.core_type = #tpu.core_type<sc_vector_subcore>, window_params = [{transform_indices = #map}, {transform_indices = #map}, {transform_indices = #map}, {transform_indices = #map1}]} {
    %mul3A = arith.constant 640 : i32
    %mul3A_0 = arith.muli %arg1, %mul3A : i32
    %mul3A_1 = arith.constant 20000 : i32
    %mul3A_2 = arith.muli %arg1, %mul3A_1 : i32
    %scan3A = arith.constant 0 : i32
    %scan3A_3 = arith.constant 0 : i32
    %scan3A_4 = arith.constant 128 : i32
    %scan3A_5 = arith.addi %scan3A_3, %scan3A_4 : i32
    %scan3A_6 = arith.constant 1 : i32
    %scan3A_7 = scf.for %scan3A_53 = %scan3A_3 to %scan3A_5 step %scan3A_6 iter_args(%scan3A_54 = %scan3A) -> (i32)  : i32 {
      %broadcast_in_dim3A = arith.constant 0.000000e+00 : f32
      %broadcast_in_dim3A_55 = vector.broadcast %broadcast_in_dim3A : f32 to vector<16xf32>
      %swap3A = arith.index_cast %scan3A_53 : i32 to index
      %swap3A_56 = arith.constant 0 : index
      %swap3A_57 = tpu.vector_load %arg8[%swap3A, %swap3A_56] {strides = array<i32>} : memref<128x64xf32, #tpu.memory_space<vmem>>, vector<1x16xf32>,
      %swap3A_58 = vector.shape_cast %swap3A_57 : vector<1x16xf32> to vector<16xf32>
      %swap3A_59 = vector.shape_cast %broadcast_in_dim3A_55 : vector<16xf32> to vector<1x16xf32>
      tpu.vector_store %arg8[%swap3A, %swap3A_56], %swap3A_59 {strides = array<i32>} : memref<128x64xf32, #tpu.memory_space<vmem>>, vector<1x16xf32>,
      %broadcast_in_dim3A_60 = arith.constant 0.000000e+00 : f32
      %broadcast_in_dim3A_61 = vector.broadcast %broadcast_in_dim3A_60 : f32 to vector<16xf32>
      %swap3A_62 = arith.index_cast %scan3A_53 : i32 to index
      %swap3A_63 = arith.constant 16 : index
      %swap3A_64 = tpu.vector_load %arg8[%swap3A_62, %swap3A_63] {strides = array<i32>} : memref<128x64xf32, #tpu.memory_space<vmem>>, vector<1x16xf32>,
      %swap3A_65 = vector.shape_cast %swap3A_64 : vector<1x16xf32> to vector<16xf32>
      %swap3A_66 = vector.shape_cast %broadcast_in_dim3A_61 : vector<16xf32> to vector<1x16xf32>
      tpu.vector_store %arg8[%swap3A_62, %swap3A_63], %swap3A_66 {strides = array<i32>} : memref<128x64xf32, #tpu.memory_space<vmem>>, vector<1x16xf32>,
      %broadcast_in_dim3A_67 = arith.constant 0.000000e+00 : f32
      %broadcast_in_dim3A_68 = vector.broadcast %broadcast_in_dim3A_67 : f32 to vector<16xf32>
      %swap3A_69 = arith.index_cast %scan3A_53 : i32 to index
      %swap3A_70 = arith.constant 32 : index
      %swap3A_71 = tpu.vector_load %arg8[%swap3A_69, %swap3A_70] {strides = array<i32>} : memref<128x64xf32, #tpu.memory_space<vmem>>, vector<1x16xf32>,
      %swap3A_72 = vector.shape_cast %swap3A_71 : vector<1x16xf32> to vector<16xf32>
      %swap3A_73 = vector.shape_cast %broadcast_in_dim3A_68 : vector<16xf32> to vector<1x16xf32>
      tpu.vector_store %arg8[%swap3A_69, %swap3A_70], %swap3A_73 {strides = array<i32>} : memref<128x64xf32, #tpu.memory_space<vmem>>, vector<1x16xf32>,
      %broadcast_in_dim3A_74 = arith.constant 0.000000e+00 : f32
      %broadcast_in_dim3A_75 = vector.broadcast %broadcast_in_dim3A_74 : f32 to vector<16xf32>
      %swap3A_76 = arith.index_cast %scan3A_53 : i32 to index
      %swap3A_77 = arith.constant 48 : index
      %swap3A_78 = tpu.vector_load %arg8[%swap3A_76, %swap3A_77] {strides = array<i32>} : memref<128x64xf32, #tpu.memory_space<vmem>>, vector<1x16xf32>,
      %swap3A_79 = vector.shape_cast %swap3A_78 : vector<1x16xf32> to vector<16xf32>
      %swap3A_80 = vector.shape_cast %broadcast_in_dim3A_75 : vector<16xf32> to vector<1x16xf32>
      tpu.vector_store %arg8[%swap3A_76, %swap3A_77], %swap3A_80 {strides = array<i32>} : memref<128x64xf32, #tpu.memory_space<vmem>>, vector<1x16xf32>,
      %scan3A_81 = arith.constant 0 : i32
      scf.yield %scan3A_81 : i32
    }
    %scan3A_8 = arith.constant 128 : i32
    %add3A = arith.constant 0 : i32
    %add3A_9 = arith.addi %mul3A_0, %add3A : i32
    "tpu.region"() ({
      %run_scoped3A_53 = tpu.sem_alloc : memref<!tpu.dma_semaphore, #tpu.memory_space<semaphore_mem>>
      %dma_start3A = arith.constant 0 : i32
      %dma_start3A_54 = tpu.memref_slice %arg16[%add3A_9, %dma_start3A] : memref<10240x64xf32, #tpu.memory_space<vmem_shared>> -> memref<128x64xf32, #tpu.memory_space<vmem_shared>>
      %dma_start3A_55 = arith.constant 0 : i32
      %dma_start3A_56 = tpu.memref_slice %arg16[%add3A_9, %dma_start3A_55] : memref<10240x64xf32, #tpu.memory_space<vmem_shared>> -> memref<128x64xf32, #tpu.memory_space<vmem_shared>>
      tpu.enqueue_dma source(%arg8 : memref<128x64xf32, #tpu.memory_space<vmem>>) target(%dma_start3A_56 : memref<128x64xf32, #tpu.memory_space<vmem_shared>>) target_semaphore(%run_scoped3A_53 : memref<!tpu.dma_semaphore, #tpu.memory_space<semaphore_mem>>)
      %dma_wait3A = arith.constant 0 : i32
      %dma_wait3A_57 = tpu.memref_slice %arg16[%add3A_9, %dma_wait3A] : memref<10240x64xf32, #tpu.memory_space<vmem_shared>> -> memref<128x64xf32, #tpu.memory_space<vmem_shared>>
      %dma_wait3A_58 = arith.constant 0 : i32
      %dma_wait3A_59 = tpu.memref_slice %arg16[%add3A_9, %dma_wait3A_58] : memref<10240x64xf32, #tpu.memory_space<vmem_shared>> -> memref<128x64xf32, #tpu.memory_space<vmem_shared>>
      tpu.wait_dma2 semaphore(%run_scoped3A_53 : memref<!tpu.dma_semaphore, #tpu.memory_space<semaphore_mem>>) src(%arg8 : memref<128x64xf32, #tpu.memory_space<vmem>>) dst(%dma_wait3A_59 : memref<128x64xf32, #tpu.memory_space<vmem_shared>>)
      tpu.yield
    }) : () -> ()
    %add3A_10 = arith.constant 128 : i32
    %add3A_11 = arith.addi %mul3A_0, %add3A_10 : i32
    "tpu.region"() ({
      %run_scoped3A_53 = tpu.sem_alloc : memref<!tpu.dma_semaphore, #tpu.memory_space<semaphore_mem>>
      %dma_start3A = arith.constant 0 : i32
      %dma_start3A_54 = tpu.memref_slice %arg16[%add3A_11, %dma_start3A] : memref<10240x64xf32, #tpu.memory_space<vmem_shared>> -> memref<128x64xf32, #tpu.memory_space<vmem_shared>>
      %dma_start3A_55 = arith.constant 0 : i32
      %dma_start3A_56 = tpu.memref_slice %arg16[%add3A_11, %dma_start3A_55] : memref<10240x64xf32, #tpu.memory_space<vmem_shared>> -> memref<128x64xf32, #tpu.memory_space<vmem_shared>>
      tpu.enqueue_dma source(%arg8 : memref<128x64xf32, #tpu.memory_space<vmem>>) target(%dma_start3A_56 : memref<128x64xf32, #tpu.memory_space<vmem_shared>>) target_semaphore(%run_scoped3A_53 : memref<!tpu.dma_semaphore, #tpu.memory_space<semaphore_mem>>)
      %dma_wait3A = arith.constant 0 : i32
      %dma_wait3A_57 = tpu.memref_slice %arg16[%add3A_11, %dma_wait3A] : memref<10240x64xf32, #tpu.memory_space<vmem_shared>> -> memref<128x64xf32, #tpu.memory_space<vmem_shared>>
      %dma_wait3A_58 = arith.constant 0 : i32
      %dma_wait3A_59 = tpu.memref_slice %arg16[%add3A_11, %dma_wait3A_58] : memref<10240x64xf32, #tpu.memory_space<vmem_shared>> -> memref<128x64xf32, #tpu.memory_space<vmem_shared>>
      tpu.wait_dma2 semaphore(%run_scoped3A_53 : memref<!tpu.dma_semaphore, #tpu.memory_space<semaphore_mem>>) src(%arg8 : memref<128x64xf32, #tpu.memory_space<vmem>>) dst(%dma_wait3A_59 : memref<128x64xf32, #tpu.memory_space<vmem_shared>>)
      tpu.yield
    }) : () -> ()
    %add3A_12 = arith.constant 256 : i32
    %add3A_13 = arith.addi %mul3A_0, %add3A_12 : i32
    "tpu.region"() ({
      %run_scoped3A_53 = tpu.sem_alloc : memref<!tpu.dma_semaphore, #tpu.memory_space<semaphore_mem>>
      %dma_start3A = arith.constant 0 : i32
      %dma_start3A_54 = tpu.memref_slice %arg16[%add3A_13, %dma_start3A] : memref<10240x64xf32, #tpu.memory_space<vmem_shared>> -> memref<128x64xf32, #tpu.memory_space<vmem_shared>>
      %dma_start3A_55 = arith.constant 0 : i32
      %dma_start3A_56 = tpu.memref_slice %arg16[%add3A_13, %dma_start3A_55] : memref<10240x64xf32, #tpu.memory_space<vmem_shared>> -> memref<128x64xf32, #tpu.memory_space<vmem_shared>>
      tpu.enqueue_dma source(%arg8 : memref<128x64xf32, #tpu.memory_space<vmem>>) target(%dma_start3A_56 : memref<128x64xf32, #tpu.memory_space<vmem_shared>>) target_semaphore(%run_scoped3A_53 : memref<!tpu.dma_semaphore, #tpu.memory_space<semaphore_mem>>)
      %dma_wait3A = arith.constant 0 : i32
      %dma_wait3A_57 = tpu.memref_slice %arg16[%add3A_13, %dma_wait3A] : memref<10240x64xf32, #tpu.memory_space<vmem_shared>> -> memref<128x64xf32, #tpu.memory_space<vmem_shared>>
      %dma_wait3A_58 = arith.constant 0 : i32
      %dma_wait3A_59 = tpu.memref_slice %arg16[%add3A_13, %dma_wait3A_58] : memref<10240x64xf32, #tpu.memory_space<vmem_shared>> -> memref<128x64xf32, #tpu.memory_space<vmem_shared>>
      tpu.wait_dma2 semaphore(%run_scoped3A_53 : memref<!tpu.dma_semaphore, #tpu.memory_space<semaphore_mem>>) src(%arg8 : memref<128x64xf32, #tpu.memory_space<vmem>>) dst(%dma_wait3A_59 : memref<128x64xf32, #tpu.memory_space<vmem_shared>>)
      tpu.yield
    }) : () -> ()
    %add3A_14 = arith.constant 384 : i32
    %add3A_15 = arith.addi %mul3A_0, %add3A_14 : i32
    "tpu.region"() ({
      %run_scoped3A_53 = tpu.sem_alloc : memref<!tpu.dma_semaphore, #tpu.memory_space<semaphore_mem>>
      %dma_start3A = arith.constant 0 : i32
      %dma_start3A_54 = tpu.memref_slice %arg16[%add3A_15, %dma_start3A] : memref<10240x64xf32, #tpu.memory_space<vmem_shared>> -> memref<128x64xf32, #tpu.memory_space<vmem_shared>>
      %dma_start3A_55 = arith.constant 0 : i32
      %dma_start3A_56 = tpu.memref_slice %arg16[%add3A_15, %dma_start3A_55] : memref<10240x64xf32, #tpu.memory_space<vmem_shared>> -> memref<128x64xf32, #tpu.memory_space<vmem_shared>>
      tpu.enqueue_dma source(%arg8 : memref<128x64xf32, #tpu.memory_space<vmem>>) target(%dma_start3A_56 : memref<128x64xf32, #tpu.memory_space<vmem_shared>>) target_semaphore(%run_scoped3A_53 : memref<!tpu.dma_semaphore, #tpu.memory_space<semaphore_mem>>)
      %dma_wait3A = arith.constant 0 : i32
      %dma_wait3A_57 = tpu.memref_slice %arg16[%add3A_15, %dma_wait3A] : memref<10240x64xf32, #tpu.memory_space<vmem_shared>> -> memref<128x64xf32, #tpu.memory_space<vmem_shared>>
      %dma_wait3A_58 = arith.constant 0 : i32
      %dma_wait3A_59 = tpu.memref_slice %arg16[%add3A_15, %dma_wait3A_58] : memref<10240x64xf32, #tpu.memory_space<vmem_shared>> -> memref<128x64xf32, #tpu.memory_space<vmem_shared>>
      tpu.wait_dma2 semaphore(%run_scoped3A_53 : memref<!tpu.dma_semaphore, #tpu.memory_space<semaphore_mem>>) src(%arg8 : memref<128x64xf32, #tpu.memory_space<vmem>>) dst(%dma_wait3A_59 : memref<128x64xf32, #tpu.memory_space<vmem_shared>>)
      tpu.yield
    }) : () -> ()
    %add3A_16 = arith.constant 512 : i32
    %add3A_17 = arith.addi %mul3A_0, %add3A_16 : i32
    "tpu.region"() ({
      %run_scoped3A_53 = tpu.sem_alloc : memref<!tpu.dma_semaphore, #tpu.memory_space<semaphore_mem>>
      %dma_start3A = arith.constant 0 : i32
      %dma_start3A_54 = tpu.memref_slice %arg16[%add3A_17, %dma_start3A] : memref<10240x64xf32, #tpu.memory_space<vmem_shared>> -> memref<128x64xf32, #tpu.memory_space<vmem_shared>>
      %dma_start3A_55 = arith.constant 0 : i32
      %dma_start3A_56 = tpu.memref_slice %arg16[%add3A_17, %dma_start3A_55] : memref<10240x64xf32, #tpu.memory_space<vmem_shared>> -> memref<128x64xf32, #tpu.memory_space<vmem_shared>>
      tpu.enqueue_dma source(%arg8 : memref<128x64xf32, #tpu.memory_space<vmem>>) target(%dma_start3A_56 : memref<128x64xf32, #tpu.memory_space<vmem_shared>>) target_semaphore(%run_scoped3A_53 : memref<!tpu.dma_semaphore, #tpu.memory_space<semaphore_mem>>)
      %dma_wait3A = arith.constant 0 : i32
      %dma_wait3A_57 = tpu.memref_slice %arg16[%add3A_17, %dma_wait3A] : memref<10240x64xf32, #tpu.memory_space<vmem_shared>> -> memref<128x64xf32, #tpu.memory_space<vmem_shared>>
      %dma_wait3A_58 = arith.constant 0 : i32
      %dma_wait3A_59 = tpu.memref_slice %arg16[%add3A_17, %dma_wait3A_58] : memref<10240x64xf32, #tpu.memory_space<vmem_shared>> -> memref<128x64xf32, #tpu.memory_space<vmem_shared>>
      tpu.wait_dma2 semaphore(%run_scoped3A_53 : memref<!tpu.dma_semaphore, #tpu.memory_space<semaphore_mem>>) src(%arg8 : memref<128x64xf32, #tpu.memory_space<vmem>>) dst(%dma_wait3A_59 : memref<128x64xf32, #tpu.memory_space<vmem_shared>>)
      tpu.yield
    }) : () -> ()
    %barrier3A = arith.constant 0 : index
    tpu.barrier barrier_id(%barrier3A)
    %run_scoped3A = arith.constant 0 : i32
    "tpu.region"() ({
      %run_scoped3A_53 = tpu.sem_alloc : memref<!tpu.dma_semaphore, #tpu.memory_space<semaphore_mem>>
      %dma_start3A = arith.constant 0 : i32
      %dma_start3A_54 = tpu.memref_slice %arg6[%dma_start3A] : memref<20000xi32, #tpu.memory_space<vmem>> -> memref<19968xi32, #tpu.memory_space<vmem>>
      %dma_start3A_55 = tpu.memref_slice %arg4[%run_scoped3A, %mul3A_2] : memref<2x320000xi32, #tpu.memory_space<hbm>> -> memref<1x19968xi32, #tpu.memory_space<hbm>>
      %dma_start3A_56 = tpu.memref_squeeze %dma_start3A_55 : memref<1x19968xi32, #tpu.memory_space<hbm>> -> memref<19968xi32, #tpu.memory_space<hbm>>
      %dma_start3A_57 = arith.constant 0 : i32
      %dma_start3A_58 = tpu.memref_slice %arg6[%dma_start3A_57] : memref<20000xi32, #tpu.memory_space<vmem>> -> memref<19968xi32, #tpu.memory_space<vmem>>
      %dma_start3A_59 = tpu.memref_slice %arg4[%run_scoped3A, %mul3A_2] : memref<2x320000xi32, #tpu.memory_space<hbm>> -> memref<1x19968xi32, #tpu.memory_space<hbm>>
      %dma_start3A_60 = tpu.memref_squeeze %dma_start3A_59 : memref<1x19968xi32, #tpu.memory_space<hbm>> -> memref<19968xi32, #tpu.memory_space<hbm>>
      tpu.enqueue_dma source(%dma_start3A_60 : memref<19968xi32, #tpu.memory_space<hbm>>) target(%dma_start3A_58 : memref<19968xi32, #tpu.memory_space<vmem>>) target_semaphore(%run_scoped3A_53 : memref<!tpu.dma_semaphore, #tpu.memory_space<semaphore_mem>>)
      %dma_wait3A = arith.constant 0 : i32
      %dma_wait3A_61 = tpu.memref_slice %arg6[%dma_wait3A] : memref<20000xi32, #tpu.memory_space<vmem>> -> memref<19968xi32, #tpu.memory_space<vmem>>
      %dma_wait3A_62 = tpu.memref_slice %arg4[%run_scoped3A, %mul3A_2] : memref<2x320000xi32, #tpu.memory_space<hbm>> -> memref<1x19968xi32, #tpu.memory_space<hbm>>
      %dma_wait3A_63 = tpu.memref_squeeze %dma_wait3A_62 : memref<1x19968xi32, #tpu.memory_space<hbm>> -> memref<19968xi32, #tpu.memory_space<hbm>>
      %dma_wait3A_64 = arith.constant 0 : i32
      %dma_wait3A_65 = tpu.memref_slice %arg6[%dma_wait3A_64] : memref<20000xi32, #tpu.memory_space<vmem>> -> memref<19968xi32, #tpu.memory_space<vmem>>
      %dma_wait3A_66 = tpu.memref_slice %arg4[%run_scoped3A, %mul3A_2] : memref<2x320000xi32, #tpu.memory_space<hbm>> -> memref<1x19968xi32, #tpu.memory_space<hbm>>
      %dma_wait3A_67 = tpu.memref_squeeze %dma_wait3A_66 : memref<1x19968xi32, #tpu.memory_space<hbm>> -> memref<19968xi32, #tpu.memory_space<hbm>>
      tpu.wait_dma2 semaphore(%run_scoped3A_53 : memref<!tpu.dma_semaphore, #tpu.memory_space<semaphore_mem>>) src(%dma_wait3A_67 : memref<19968xi32, #tpu.memory_space<hbm>>) dst(%dma_wait3A_65 : memref<19968xi32, #tpu.memory_space<vmem>>)
      tpu.yield
    }) : () -> ()
    %add3A_18 = arith.constant 19968 : i32
    %add3A_19 = arith.addi %mul3A_2, %add3A_18 : i32
    %run_scoped3A_20 = arith.constant 0 : i32
    "tpu.region"() ({
      %run_scoped3A_53 = tpu.sem_alloc : memref<!tpu.dma_semaphore, #tpu.memory_space<semaphore_mem>>
      %dma_start3A = arith.constant 19968 : i32
      %dma_start3A_54 = tpu.memref_slice %arg6[%dma_start3A] : memref<20000xi32, #tpu.memory_space<vmem>> -> memref<32xi32, #tpu.memory_space<vmem>>
      %dma_start3A_55 = tpu.memref_slice %arg4[%run_scoped3A_20, %add3A_19] : memref<2x320000xi32, #tpu.memory_space<hbm>> -> memref<1x32xi32, #tpu.memory_space<hbm>>
      %dma_start3A_56 = tpu.memref_squeeze %dma_start3A_55 : memref<1x32xi32, #tpu.memory_space<hbm>> -> memref<32xi32, #tpu.memory_space<hbm>>
      %dma_start3A_57 = arith.constant 19968 : i32
      %dma_start3A_58 = tpu.memref_slice %arg6[%dma_start3A_57] : memref<20000xi32, #tpu.memory_space<vmem>> -> memref<32xi32, #tpu.memory_space<vmem>>
      %dma_start3A_59 = tpu.memref_slice %arg4[%run_scoped3A_20, %add3A_19] : memref<2x320000xi32, #tpu.memory_space<hbm>> -> memref<1x32xi32, #tpu.memory_space<hbm>>
      %dma_start3A_60 = tpu.memref_squeeze %dma_start3A_59 : memref<1x32xi32, #tpu.memory_space<hbm>> -> memref<32xi32, #tpu.memory_space<hbm>>
      tpu.enqueue_dma source(%dma_start3A_60 : memref<32xi32, #tpu.memory_space<hbm>>) target(%dma_start3A_58 : memref<32xi32, #tpu.memory_space<vmem>>) target_semaphore(%run_scoped3A_53 : memref<!tpu.dma_semaphore, #tpu.memory_space<semaphore_mem>>)
      %dma_wait3A = arith.constant 19968 : i32
      %dma_wait3A_61 = tpu.memref_slice %arg6[%dma_wait3A] : memref<20000xi32, #tpu.memory_space<vmem>> -> memref<32xi32, #tpu.memory_space<vmem>>
      %dma_wait3A_62 = tpu.memref_slice %arg4[%run_scoped3A_20, %add3A_19] : memref<2x320000xi32, #tpu.memory_space<hbm>> -> memref<1x32xi32, #tpu.memory_space<hbm>>
      %dma_wait3A_63 = tpu.memref_squeeze %dma_wait3A_62 : memref<1x32xi32, #tpu.memory_space<hbm>> -> memref<32xi32, #tpu.memory_space<hbm>>
      %dma_wait3A_64 = arith.constant 19968 : i32
      %dma_wait3A_65 = tpu.memref_slice %arg6[%dma_wait3A_64] : memref<20000xi32, #tpu.memory_space<vmem>> -> memref<32xi32, #tpu.memory_space<vmem>>
      %dma_wait3A_66 = tpu.memref_slice %arg4[%run_scoped3A_20, %add3A_19] : memref<2x320000xi32, #tpu.memory_space<hbm>> -> memref<1x32xi32, #tpu.memory_space<hbm>>
      %dma_wait3A_67 = tpu.memref_squeeze %dma_wait3A_66 : memref<1x32xi32, #tpu.memory_space<hbm>> -> memref<32xi32, #tpu.memory_space<hbm>>
      tpu.wait_dma2 semaphore(%run_scoped3A_53 : memref<!tpu.dma_semaphore, #tpu.memory_space<semaphore_mem>>) src(%dma_wait3A_67 : memref<32xi32, #tpu.memory_space<hbm>>) dst(%dma_wait3A_65 : memref<32xi32, #tpu.memory_space<vmem>>)
      tpu.yield
    }) : () -> ()
    %run_scoped3A_21 = arith.constant 1 : i32
    "tpu.region"() ({
      %run_scoped3A_53 = tpu.sem_alloc : memref<!tpu.dma_semaphore, #tpu.memory_space<semaphore_mem>>
      %dma_start3A = arith.constant 0 : i32
      %dma_start3A_54 = tpu.memref_slice %arg7[%dma_start3A] : memref<20000xi32, #tpu.memory_space<vmem>> -> memref<19968xi32, #tpu.memory_space<vmem>>
      %dma_start3A_55 = tpu.memref_slice %arg4[%run_scoped3A_21, %mul3A_2] : memref<2x320000xi32, #tpu.memory_space<hbm>> -> memref<1x19968xi32, #tpu.memory_space<hbm>>
      %dma_start3A_56 = tpu.memref_squeeze %dma_start3A_55 : memref<1x19968xi32, #tpu.memory_space<hbm>> -> memref<19968xi32, #tpu.memory_space<hbm>>
      %dma_start3A_57 = arith.constant 0 : i32
      %dma_start3A_58 = tpu.memref_slice %arg7[%dma_start3A_57] : memref<20000xi32, #tpu.memory_space<vmem>> -> memref<19968xi32, #tpu.memory_space<vmem>>
      %dma_start3A_59 = tpu.memref_slice %arg4[%run_scoped3A_21, %mul3A_2] : memref<2x320000xi32, #tpu.memory_space<hbm>> -> memref<1x19968xi32, #tpu.memory_space<hbm>>
      %dma_start3A_60 = tpu.memref_squeeze %dma_start3A_59 : memref<1x19968xi32, #tpu.memory_space<hbm>> -> memref<19968xi32, #tpu.memory_space<hbm>>
      tpu.enqueue_dma source(%dma_start3A_60 : memref<19968xi32, #tpu.memory_space<hbm>>) target(%dma_start3A_58 : memref<19968xi32, #tpu.memory_space<vmem>>) target_semaphore(%run_scoped3A_53 : memref<!tpu.dma_semaphore, #tpu.memory_space<semaphore_mem>>)
      %dma_wait3A = arith.constant 0 : i32
      %dma_wait3A_61 = tpu.memref_slice %arg7[%dma_wait3A] : memref<20000xi32, #tpu.memory_space<vmem>> -> memref<19968xi32, #tpu.memory_space<vmem>>
      %dma_wait3A_62 = tpu.memref_slice %arg4[%run_scoped3A_21, %mul3A_2] : memref<2x320000xi32, #tpu.memory_space<hbm>> -> memref<1x19968xi32, #tpu.memory_space<hbm>>
      %dma_wait3A_63 = tpu.memref_squeeze %dma_wait3A_62 : memref<1x19968xi32, #tpu.memory_space<hbm>> -> memref<19968xi32, #tpu.memory_space<hbm>>
      %dma_wait3A_64 = arith.constant 0 : i32
      %dma_wait3A_65 = tpu.memref_slice %arg7[%dma_wait3A_64] : memref<20000xi32, #tpu.memory_space<vmem>> -> memref<19968xi32, #tpu.memory_space<vmem>>
      %dma_wait3A_66 = tpu.memref_slice %arg4[%run_scoped3A_21, %mul3A_2] : memref<2x320000xi32, #tpu.memory_space<hbm>> -> memref<1x19968xi32, #tpu.memory_space<hbm>>
      %dma_wait3A_67 = tpu.memref_squeeze %dma_wait3A_66 : memref<1x19968xi32, #tpu.memory_space<hbm>> -> memref<19968xi32, #tpu.memory_space<hbm>>
      tpu.wait_dma2 semaphore(%run_scoped3A_53 : memref<!tpu.dma_semaphore, #tpu.memory_space<semaphore_mem>>) src(%dma_wait3A_67 : memref<19968xi32, #tpu.memory_space<hbm>>) dst(%dma_wait3A_65 : memref<19968xi32, #tpu.memory_space<vmem>>)
      tpu.yield
    }) : () -> ()
    %add3A_22 = arith.constant 19968 : i32
    %add3A_23 = arith.addi %mul3A_2, %add3A_22 : i32
    %run_scoped3A_24 = arith.constant 1 : i32
    "tpu.region"() ({
      %run_scoped3A_53 = tpu.sem_alloc : memref<!tpu.dma_semaphore, #tpu.memory_space<semaphore_mem>>
      %dma_start3A = arith.constant 19968 : i32
      %dma_start3A_54 = tpu.memref_slice %arg7[%dma_start3A] : memref<20000xi32, #tpu.memory_space<vmem>> -> memref<32xi32, #tpu.memory_space<vmem>>
      %dma_start3A_55 = tpu.memref_slice %arg4[%run_scoped3A_24, %add3A_23] : memref<2x320000xi32, #tpu.memory_space<hbm>> -> memref<1x32xi32, #tpu.memory_space<hbm>>
      %dma_start3A_56 = tpu.memref_squeeze %dma_start3A_55 : memref<1x32xi32, #tpu.memory_space<hbm>> -> memref<32xi32, #tpu.memory_space<hbm>>
      %dma_start3A_57 = arith.constant 19968 : i32
      %dma_start3A_58 = tpu.memref_slice %arg7[%dma_start3A_57] : memref<20000xi32, #tpu.memory_space<vmem>> -> memref<32xi32, #tpu.memory_space<vmem>>
      %dma_start3A_59 = tpu.memref_slice %arg4[%run_scoped3A_24, %add3A_23] : memref<2x320000xi32, #tpu.memory_space<hbm>> -> memref<1x32xi32, #tpu.memory_space<hbm>>
      %dma_start3A_60 = tpu.memref_squeeze %dma_start3A_59 : memref<1x32xi32, #tpu.memory_space<hbm>> -> memref<32xi32, #tpu.memory_space<hbm>>
      tpu.enqueue_dma source(%dma_start3A_60 : memref<32xi32, #tpu.memory_space<hbm>>) target(%dma_start3A_58 : memref<32xi32, #tpu.memory_space<vmem>>) target_semaphore(%run_scoped3A_53 : memref<!tpu.dma_semaphore, #tpu.memory_space<semaphore_mem>>)
      %dma_wait3A = arith.constant 19968 : i32
      %dma_wait3A_61 = tpu.memref_slice %arg7[%dma_wait3A] : memref<20000xi32, #tpu.memory_space<vmem>> -> memref<32xi32, #tpu.memory_space<vmem>>
      %dma_wait3A_62 = tpu.memref_slice %arg4[%run_scoped3A_24, %add3A_23] : memref<2x320000xi32, #tpu.memory_space<hbm>> -> memref<1x32xi32, #tpu.memory_space<hbm>>
      %dma_wait3A_63 = tpu.memref_squeeze %dma_wait3A_62 : memref<1x32xi32, #tpu.memory_space<hbm>> -> memref<32xi32, #tpu.memory_space<hbm>>
      %dma_wait3A_64 = arith.constant 19968 : i32
      %dma_wait3A_65 = tpu.memref_slice %arg7[%dma_wait3A_64] : memref<20000xi32, #tpu.memory_space<vmem>> -> memref<32xi32, #tpu.memory_space<vmem>>
      %dma_wait3A_66 = tpu.memref_slice %arg4[%run_scoped3A_24, %add3A_23] : memref<2x320000xi32, #tpu.memory_space<hbm>> -> memref<1x32xi32, #tpu.memory_space<hbm>>
      %dma_wait3A_67 = tpu.memref_squeeze %dma_wait3A_66 : memref<1x32xi32, #tpu.memory_space<hbm>> -> memref<32xi32, #tpu.memory_space<hbm>>
      tpu.wait_dma2 semaphore(%run_scoped3A_53 : memref<!tpu.dma_semaphore, #tpu.memory_space<semaphore_mem>>) src(%dma_wait3A_67 : memref<32xi32, #tpu.memory_space<hbm>>) dst(%dma_wait3A_65 : memref<32xi32, #tpu.memory_space<vmem>>)
      tpu.yield
    }) : () -> ()
    %eq3A = arith.constant 0 : i32
    %eq3A_25 = arith.cmpi eq, %arg0, %eq3A : i32
    %convert_element_type3A = arith.extui %eq3A_25 : i1 to i32
    %cond3A = arith.constant 0 : i32
    %cond3A_26 = arith.cmpi ne, %convert_element_type3A, %cond3A : i32
    scf.if %cond3A_26 {
      %dma_start3A = arith.constant 0 : i32
      %dma_start3A_53 = tpu.memref_slice %arg6[%dma_start3A] : memref<20000xi32, #tpu.memory_space<vmem>> -> memref<128xi32, #tpu.memory_space<vmem>>
      %dma_start3A_54 = arith.constant 0 : i32
      %dma_start3A_55 = arith.constant 0 : i32
      %dma_start3A_56 = tpu.memref_slice %arg2[%dma_start3A_54, %dma_start3A_55] : memref<10000x64xf32, #tpu.memory_space<hbm>> -> memref<10000x64xf32, #tpu.memory_space<hbm>>
      tpu.enqueue_indirect_dma source(%dma_start3A_56 : memref<10000x64xf32, #tpu.memory_space<hbm>>) target(%arg8 : memref<128x64xf32, #tpu.memory_space<vmem>>) offsets(%dma_start3A_53 : memref<128xi32, #tpu.memory_space<vmem>>) semaphore(%arg12 : memref<!tpu.dma_semaphore, #tpu.memory_space<semaphore_mem>>)
      %dma_start3A_57 = arith.constant 128 : i32
      %dma_start3A_58 = tpu.memref_slice %arg6[%dma_start3A_57] : memref<20000xi32, #tpu.memory_space<vmem>> -> memref<128xi32, #tpu.memory_space<vmem>>
      %dma_start3A_59 = arith.constant 0 : i32
      %dma_start3A_60 = arith.constant 0 : i32
      %dma_start3A_61 = tpu.memref_slice %arg2[%dma_start3A_59, %dma_start3A_60] : memref<10000x64xf32, #tpu.memory_space<hbm>> -> memref<10000x64xf32, #tpu.memory_space<hbm>>
      tpu.enqueue_indirect_dma source(%dma_start3A_61 : memref<10000x64xf32, #tpu.memory_space<hbm>>) target(%arg9 : memref<128x64xf32, #tpu.memory_space<vmem>>) offsets(%dma_start3A_58 : memref<128xi32, #tpu.memory_space<vmem>>) semaphore(%arg13 : memref<!tpu.dma_semaphore, #tpu.memory_space<semaphore_mem>>)
      %dma_start3A_62 = arith.constant 256 : i32
      %dma_start3A_63 = tpu.memref_slice %arg6[%dma_start3A_62] : memref<20000xi32, #tpu.memory_space<vmem>> -> memref<128xi32, #tpu.memory_space<vmem>>
      %dma_start3A_64 = arith.constant 0 : i32
      %dma_start3A_65 = arith.constant 0 : i32
      %dma_start3A_66 = tpu.memref_slice %arg2[%dma_start3A_64, %dma_start3A_65] : memref<10000x64xf32, #tpu.memory_space<hbm>> -> memref<10000x64xf32, #tpu.memory_space<hbm>>
      tpu.enqueue_indirect_dma source(%dma_start3A_66 : memref<10000x64xf32, #tpu.memory_space<hbm>>) target(%arg10 : memref<128x64xf32, #tpu.memory_space<vmem>>) offsets(%dma_start3A_63 : memref<128xi32, #tpu.memory_space<vmem>>) semaphore(%arg14 : memref<!tpu.dma_semaphore, #tpu.memory_space<semaphore_mem>>)
      %dma_start3A_67 = arith.constant 384 : i32
      %dma_start3A_68 = tpu.memref_slice %arg6[%dma_start3A_67] : memref<20000xi32, #tpu.memory_space<vmem>> -> memref<128xi32, #tpu.memory_space<vmem>>
      %dma_start3A_69 = arith.constant 0 : i32
      %dma_start3A_70 = arith.constant 0 : i32
      %dma_start3A_71 = tpu.memref_slice %arg2[%dma_start3A_69, %dma_start3A_70] : memref<10000x64xf32, #tpu.memory_space<hbm>> -> memref<10000x64xf32, #tpu.memory_space<hbm>>
      tpu.enqueue_indirect_dma source(%dma_start3A_71 : memref<10000x64xf32, #tpu.memory_space<hbm>>) target(%arg11 : memref<128x64xf32, #tpu.memory_space<vmem>>) offsets(%dma_start3A_68 : memref<128xi32, #tpu.memory_space<vmem>>) semaphore(%arg15 : memref<!tpu.dma_semaphore, #tpu.memory_space<semaphore_mem>>)
      %scan3A_72 = arith.constant 0 : i32
      %scan3A_73 = arith.constant 0 : i32
      %scan3A_74 = arith.constant 39 : i32
      %scan3A_75 = arith.addi %scan3A_73, %scan3A_74 : i32
      %scan3A_76 = arith.constant 1 : i32
      %scan3A_77 = scf.for %scan3A_79 = %scan3A_73 to %scan3A_75 step %scan3A_76 iter_args(%scan3A_80 = %scan3A_72) -> (i32)  : i32 {
        %mul3A_81 = arith.constant 4 : i32
        %mul3A_82 = arith.muli %scan3A_79, %mul3A_81 : i32
        %add3A_83 = arith.constant 0 : i32
        %add3A_84 = arith.addi %mul3A_82, %add3A_83 : i32
        %dma_wait3A = arith.constant 0 : i32
        %dma_wait3A_85 = tpu.memref_slice %arg6[%dma_wait3A] : memref<20000xi32, #tpu.memory_space<vmem>> -> memref<128xi32, #tpu.memory_space<vmem>>
        %dma_wait3A_86 = arith.constant 0 : i32
        %dma_wait3A_87 = arith.constant 0 : i32
        %dma_wait3A_88 = tpu.memref_slice %arg2[%dma_wait3A_86, %dma_wait3A_87] : memref<10000x64xf32, #tpu.memory_space<hbm>> -> memref<10000x64xf32, #tpu.memory_space<hbm>>
        tpu.wait_indirect_dma semaphore(%arg12 : memref<!tpu.dma_semaphore, #tpu.memory_space<semaphore_mem>>) src(%dma_wait3A_88 : memref<10000x64xf32, #tpu.memory_space<hbm>>) dst(%arg8 : memref<128x64xf32, #tpu.memory_space<vmem>>)
        %mul3A_89 = arith.constant 128 : i32
        %mul3A_90 = arith.muli %add3A_84, %mul3A_89 : i32
        "tpu.region"() ({
          %run_scoped3A_152 = tpu.sem_alloc : memref<!tpu.dma_semaphore, #tpu.memory_space<semaphore_mem>>
          %dma_start3A_153 = tpu.memref_slice %arg7[%mul3A_90] : memref<20000xi32, #tpu.memory_space<vmem>> -> memref<128xi32, #tpu.memory_space<vmem>>
          %dma_start3A_154 = arith.constant 0 : i32
          %dma_start3A_155 = arith.constant 0 : i32
          %dma_start3A_156 = tpu.memref_slice %arg16[%dma_start3A_154, %dma_start3A_155] : memref<10240x64xf32, #tpu.memory_space<vmem_shared>> -> memref<10240x64xf32, #tpu.memory_space<vmem_shared>>
          tpu.enqueue_indirect_dma source(%arg8 : memref<128x64xf32, #tpu.memory_space<vmem>>) target(%dma_start3A_156 : memref<10240x64xf32, #tpu.memory_space<vmem_shared>>) offsets(%dma_start3A_153 : memref<128xi32, #tpu.memory_space<vmem>>) semaphore(%run_scoped3A_152 : memref<!tpu.dma_semaphore, #tpu.memory_space<semaphore_mem>>) {add = true}
          %dma_wait3A_157 = tpu.memref_slice %arg7[%mul3A_90] : memref<20000xi32, #tpu.memory_space<vmem>> -> memref<128xi32, #tpu.memory_space<vmem>>
          %dma_wait3A_158 = arith.constant 0 : i32
          %dma_wait3A_159 = arith.constant 0 : i32
          %dma_wait3A_160 = tpu.memref_slice %arg16[%dma_wait3A_158, %dma_wait3A_159] : memref<10240x64xf32, #tpu.memory_space<vmem_shared>> -> memref<10240x64xf32, #tpu.memory_space<vmem_shared>>
          tpu.wait_indirect_dma semaphore(%run_scoped3A_152 : memref<!tpu.dma_semaphore, #tpu.memory_space<semaphore_mem>>) src(%arg8 : memref<128x64xf32, #tpu.memory_space<vmem>>) dst(%dma_wait3A_160 : memref<10240x64xf32, #tpu.memory_space<vmem_shared>>)
          tpu.yield
        }) : () -> ()
        %add3A_91 = arith.constant 4 : i32
        %add3A_92 = arith.addi %add3A_84, %add3A_91 : i32
        %lt3A = arith.constant 156 : i32
        %lt3A_93 = arith.cmpi slt, %add3A_92, %lt3A : i32
        %convert_element_type3A_94 = arith.extui %lt3A_93 : i1 to i32
        %cond3A_95 = arith.constant 0 : i32
        %cond3A_96 = arith.cmpi ne, %convert_element_type3A_94, %cond3A_95 : i32
        scf.if %cond3A_96 {
          %add3A_152 = arith.constant 4 : i32
          %add3A_153 = arith.addi %add3A_84, %add3A_152 : i32
          %mul3A_154 = arith.constant 128 : i32
          %mul3A_155 = arith.muli %add3A_153, %mul3A_154 : i32
          %dma_start3A_156 = tpu.memref_slice %arg6[%mul3A_155] : memref<20000xi32, #tpu.memory_space<vmem>> -> memref<128xi32, #tpu.memory_space<vmem>>
          %dma_start3A_157 = arith.constant 0 : i32
          %dma_start3A_158 = arith.constant 0 : i32
          %dma_start3A_159 = tpu.memref_slice %arg2[%dma_start3A_157, %dma_start3A_158] : memref<10000x64xf32, #tpu.memory_space<hbm>> -> memref<10000x64xf32, #tpu.memory_space<hbm>>
          tpu.enqueue_indirect_dma source(%dma_start3A_159 : memref<10000x64xf32, #tpu.memory_space<hbm>>) target(%arg8 : memref<128x64xf32, #tpu.memory_space<vmem>>) offsets(%dma_start3A_156 : memref<128xi32, #tpu.memory_space<vmem>>) semaphore(%arg12 : memref<!tpu.dma_semaphore, #tpu.memory_space<semaphore_mem>>)
        } else {
        }
        %mul3A_97 = arith.constant 4 : i32
        %mul3A_98 = arith.muli %scan3A_79, %mul3A_97 : i32
        %add3A_99 = arith.constant 1 : i32
        %add3A_100 = arith.addi %mul3A_98, %add3A_99 : i32
        %dma_wait3A_101 = arith.constant 0 : i32
        %dma_wait3A_102 = tpu.memref_slice %arg6[%dma_wait3A_101] : memref<20000xi32, #tpu.memory_space<vmem>> -> memref<128xi32, #tpu.memory_space<vmem>>
        %dma_wait3A_103 = arith.constant 0 : i32
        %dma_wait3A_104 = arith.constant 0 : i32
        %dma_wait3A_105 = tpu.memref_slice %arg2[%dma_wait3A_103, %dma_wait3A_104] : memref<10000x64xf32, #tpu.memory_space<hbm>> -> memref<10000x64xf32, #tpu.memory_space<hbm>>
        tpu.wait_indirect_dma semaphore(%arg13 : memref<!tpu.dma_semaphore, #tpu.memory_space<semaphore_mem>>) src(%dma_wait3A_105 : memref<10000x64xf32, #tpu.memory_space<hbm>>) dst(%arg9 : memref<128x64xf32, #tpu.memory_space<vmem>>)
        %mul3A_106 = arith.constant 128 : i32
        %mul3A_107 = arith.muli %add3A_100, %mul3A_106 : i32
        "tpu.region"() ({
          %run_scoped3A_152 = tpu.sem_alloc : memref<!tpu.dma_semaphore, #tpu.memory_space<semaphore_mem>>
          %dma_start3A_153 = tpu.memref_slice %arg7[%mul3A_107] : memref<20000xi32, #tpu.memory_space<vmem>> -> memref<128xi32, #tpu.memory_space<vmem>>
          %dma_start3A_154 = arith.constant 0 : i32
          %dma_start3A_155 = arith.constant 0 : i32
          %dma_start3A_156 = tpu.memref_slice %arg16[%dma_start3A_154, %dma_start3A_155] : memref<10240x64xf32, #tpu.memory_space<vmem_shared>> -> memref<10240x64xf32, #tpu.memory_space<vmem_shared>>
          tpu.enqueue_indirect_dma source(%arg9 : memref<128x64xf32, #tpu.memory_space<vmem>>) target(%dma_start3A_156 : memref<10240x64xf32, #tpu.memory_space<vmem_shared>>) offsets(%dma_start3A_153 : memref<128xi32, #tpu.memory_space<vmem>>) semaphore(%run_scoped3A_152 : memref<!tpu.dma_semaphore, #tpu.memory_space<semaphore_mem>>) {add = true}
          %dma_wait3A_157 = tpu.memref_slice %arg7[%mul3A_107] : memref<20000xi32, #tpu.memory_space<vmem>> -> memref<128xi32, #tpu.memory_space<vmem>>
          %dma_wait3A_158 = arith.constant 0 : i32
          %dma_wait3A_159 = arith.constant 0 : i32
          %dma_wait3A_160 = tpu.memref_slice %arg16[%dma_wait3A_158, %dma_wait3A_159] : memref<10240x64xf32, #tpu.memory_space<vmem_shared>> -> memref<10240x64xf32, #tpu.memory_space<vmem_shared>>
          tpu.wait_indirect_dma semaphore(%run_scoped3A_152 : memref<!tpu.dma_semaphore, #tpu.memory_space<semaphore_mem>>) src(%arg9 : memref<128x64xf32, #tpu.memory_space<vmem>>) dst(%dma_wait3A_160 : memref<10240x64xf32, #tpu.memory_space<vmem_shared>>)
          tpu.yield
        }) : () -> ()
        %add3A_108 = arith.constant 4 : i32
        %add3A_109 = arith.addi %add3A_100, %add3A_108 : i32
        %lt3A_110 = arith.constant 156 : i32
        %lt3A_111 = arith.cmpi slt, %add3A_109, %lt3A_110 : i32
        %convert_element_type3A_112 = arith.extui %lt3A_111 : i1 to i32
        %cond3A_113 = arith.constant 0 : i32
        %cond3A_114 = arith.cmpi ne, %convert_element_type3A_112, %cond3A_113 : i32
        scf.if %cond3A_114 {
          %add3A_152 = arith.constant 4 : i32
          %add3A_153 = arith.addi %add3A_100, %add3A_152 : i32
          %mul3A_154 = arith.constant 128 : i32
          %mul3A_155 = arith.muli %add3A_153, %mul3A_154 : i32
          %dma_start3A_156 = tpu.memref_slice %arg6[%mul3A_155] : memref<20000xi32, #tpu.memory_space<vmem>> -> memref<128xi32, #tpu.memory_space<vmem>>
          %dma_start3A_157 = arith.constant 0 : i32
          %dma_start3A_158 = arith.constant 0 : i32
          %dma_start3A_159 = tpu.memref_slice %arg2[%dma_start3A_157, %dma_start3A_158] : memref<10000x64xf32, #tpu.memory_space<hbm>> -> memref<10000x64xf32, #tpu.memory_space<hbm>>
          tpu.enqueue_indirect_dma source(%dma_start3A_159 : memref<10000x64xf32, #tpu.memory_space<hbm>>) target(%arg9 : memref<128x64xf32, #tpu.memory_space<vmem>>) offsets(%dma_start3A_156 : memref<128xi32, #tpu.memory_space<vmem>>) semaphore(%arg13 : memref<!tpu.dma_semaphore, #tpu.memory_space<semaphore_mem>>)
        } else {
        }
        %mul3A_115 = arith.constant 4 : i32
        %mul3A_116 = arith.muli %scan3A_79, %mul3A_115 : i32
        %add3A_117 = arith.constant 2 : i32
        %add3A_118 = arith.addi %mul3A_116, %add3A_117 : i32
        %dma_wait3A_119 = arith.constant 0 : i32
        %dma_wait3A_120 = tpu.memref_slice %arg6[%dma_wait3A_119] : memref<20000xi32, #tpu.memory_space<vmem>> -> memref<128xi32, #tpu.memory_space<vmem>>
        %dma_wait3A_121 = arith.constant 0 : i32
        %dma_wait3A_122 = arith.constant 0 : i32
        %dma_wait3A_123 = tpu.memref_slice %arg2[%dma_wait3A_121, %dma_wait3A_122] : memref<10000x64xf32, #tpu.memory_space<hbm>> -> memref<10000x64xf32, #tpu.memory_space<hbm>>
        tpu.wait_indirect_dma semaphore(%arg14 : memref<!tpu.dma_semaphore, #tpu.memory_space<semaphore_mem>>) src(%dma_wait3A_123 : memref<10000x64xf32, #tpu.memory_space<hbm>>) dst(%arg10 : memref<128x64xf32, #tpu.memory_space<vmem>>)
        %mul3A_124 = arith.constant 128 : i32
        %mul3A_125 = arith.muli %add3A_118, %mul3A_124 : i32
        "tpu.region"() ({
          %run_scoped3A_152 = tpu.sem_alloc : memref<!tpu.dma_semaphore, #tpu.memory_space<semaphore_mem>>
          %dma_start3A_153 = tpu.memref_slice %arg7[%mul3A_125] : memref<20000xi32, #tpu.memory_space<vmem>> -> memref<128xi32, #tpu.memory_space<vmem>>
          %dma_start3A_154 = arith.constant 0 : i32
          %dma_start3A_155 = arith.constant 0 : i32
          %dma_start3A_156 = tpu.memref_slice %arg16[%dma_start3A_154, %dma_start3A_155] : memref<10240x64xf32, #tpu.memory_space<vmem_shared>> -> memref<10240x64xf32, #tpu.memory_space<vmem_shared>>
          tpu.enqueue_indirect_dma source(%arg10 : memref<128x64xf32, #tpu.memory_space<vmem>>) target(%dma_start3A_156 : memref<10240x64xf32, #tpu.memory_space<vmem_shared>>) offsets(%dma_start3A_153 : memref<128xi32, #tpu.memory_space<vmem>>) semaphore(%run_scoped3A_152 : memref<!tpu.dma_semaphore, #tpu.memory_space<semaphore_mem>>) {add = true}
          %dma_wait3A_157 = tpu.memref_slice %arg7[%mul3A_125] : memref<20000xi32, #tpu.memory_space<vmem>> -> memref<128xi32, #tpu.memory_space<vmem>>
          %dma_wait3A_158 = arith.constant 0 : i32
          %dma_wait3A_159 = arith.constant 0 : i32
          %dma_wait3A_160 = tpu.memref_slice %arg16[%dma_wait3A_158, %dma_wait3A_159] : memref<10240x64xf32, #tpu.memory_space<vmem_shared>> -> memref<10240x64xf32, #tpu.memory_space<vmem_shared>>
          tpu.wait_indirect_dma semaphore(%run_scoped3A_152 : memref<!tpu.dma_semaphore, #tpu.memory_space<semaphore_mem>>) src(%arg10 : memref<128x64xf32, #tpu.memory_space<vmem>>) dst(%dma_wait3A_160 : memref<10240x64xf32, #tpu.memory_space<vmem_shared>>)
          tpu.yield
        }) : () -> ()
        %add3A_126 = arith.constant 4 : i32
        %add3A_127 = arith.addi %add3A_118, %add3A_126 : i32
        %lt3A_128 = arith.constant 156 : i32
        %lt3A_129 = arith.cmpi slt, %add3A_127, %lt3A_128 : i32
        %convert_element_type3A_130 = arith.extui %lt3A_129 : i1 to i32
        %cond3A_131 = arith.constant 0 : i32
        %cond3A_132 = arith.cmpi ne, %convert_element_type3A_130, %cond3A_131 : i32
        scf.if %cond3A_132 {
          %add3A_152 = arith.constant 4 : i32
          %add3A_153 = arith.addi %add3A_118, %add3A_152 : i32
          %mul3A_154 = arith.constant 128 : i32
          %mul3A_155 = arith.muli %add3A_153, %mul3A_154 : i32
          %dma_start3A_156 = tpu.memref_slice %arg6[%mul3A_155] : memref<20000xi32, #tpu.memory_space<vmem>> -> memref<128xi32, #tpu.memory_space<vmem>>
          %dma_start3A_157 = arith.constant 0 : i32
          %dma_start3A_158 = arith.constant 0 : i32
          %dma_start3A_159 = tpu.memref_slice %arg2[%dma_start3A_157, %dma_start3A_158] : memref<10000x64xf32, #tpu.memory_space<hbm>> -> memref<10000x64xf32, #tpu.memory_space<hbm>>
          tpu.enqueue_indirect_dma source(%dma_start3A_159 : memref<10000x64xf32, #tpu.memory_space<hbm>>) target(%arg10 : memref<128x64xf32, #tpu.memory_space<vmem>>) offsets(%dma_start3A_156 : memref<128xi32, #tpu.memory_space<vmem>>) semaphore(%arg14 : memref<!tpu.dma_semaphore, #tpu.memory_space<semaphore_mem>>)
        } else {
        }
        %mul3A_133 = arith.constant 4 : i32
        %mul3A_134 = arith.muli %scan3A_79, %mul3A_133 : i32
        %add3A_135 = arith.constant 3 : i32
        %add3A_136 = arith.addi %mul3A_134, %add3A_135 : i32
        %dma_wait3A_137 = arith.constant 0 : i32
        %dma_wait3A_138 = tpu.memref_slice %arg6[%dma_wait3A_137] : memref<20000xi32, #tpu.memory_space<vmem>> -> memref<128xi32, #tpu.memory_space<vmem>>
        %dma_wait3A_139 = arith.constant 0 : i32
        %dma_wait3A_140 = arith.constant 0 : i32
        %dma_wait3A_141 = tpu.memref_slice %arg2[%dma_wait3A_139, %dma_wait3A_140] : memref<10000x64xf32, #tpu.memory_space<hbm>> -> memref<10000x64xf32, #tpu.memory_space<hbm>>
        tpu.wait_indirect_dma semaphore(%arg15 : memref<!tpu.dma_semaphore, #tpu.memory_space<semaphore_mem>>) src(%dma_wait3A_141 : memref<10000x64xf32, #tpu.memory_space<hbm>>) dst(%arg11 : memref<128x64xf32, #tpu.memory_space<vmem>>)
        %mul3A_142 = arith.constant 128 : i32
        %mul3A_143 = arith.muli %add3A_136, %mul3A_142 : i32
        "tpu.region"() ({
          %run_scoped3A_152 = tpu.sem_alloc : memref<!tpu.dma_semaphore, #tpu.memory_space<semaphore_mem>>
          %dma_start3A_153 = tpu.memref_slice %arg7[%mul3A_143] : memref<20000xi32, #tpu.memory_space<vmem>> -> memref<128xi32, #tpu.memory_space<vmem>>
          %dma_start3A_154 = arith.constant 0 : i32
          %dma_start3A_155 = arith.constant 0 : i32
          %dma_start3A_156 = tpu.memref_slice %arg16[%dma_start3A_154, %dma_start3A_155] : memref<10240x64xf32, #tpu.memory_space<vmem_shared>> -> memref<10240x64xf32, #tpu.memory_space<vmem_shared>>
          tpu.enqueue_indirect_dma source(%arg11 : memref<128x64xf32, #tpu.memory_space<vmem>>) target(%dma_start3A_156 : memref<10240x64xf32, #tpu.memory_space<vmem_shared>>) offsets(%dma_start3A_153 : memref<128xi32, #tpu.memory_space<vmem>>) semaphore(%run_scoped3A_152 : memref<!tpu.dma_semaphore, #tpu.memory_space<semaphore_mem>>) {add = true}
          %dma_wait3A_157 = tpu.memref_slice %arg7[%mul3A_143] : memref<20000xi32, #tpu.memory_space<vmem>> -> memref<128xi32, #tpu.memory_space<vmem>>
          %dma_wait3A_158 = arith.constant 0 : i32
          %dma_wait3A_159 = arith.constant 0 : i32
          %dma_wait3A_160 = tpu.memref_slice %arg16[%dma_wait3A_158, %dma_wait3A_159] : memref<10240x64xf32, #tpu.memory_space<vmem_shared>> -> memref<10240x64xf32, #tpu.memory_space<vmem_shared>>
          tpu.wait_indirect_dma semaphore(%run_scoped3A_152 : memref<!tpu.dma_semaphore, #tpu.memory_space<semaphore_mem>>) src(%arg11 : memref<128x64xf32, #tpu.memory_space<vmem>>) dst(%dma_wait3A_160 : memref<10240x64xf32, #tpu.memory_space<vmem_shared>>)
          tpu.yield
        }) : () -> ()
        %add3A_144 = arith.constant 4 : i32
        %add3A_145 = arith.addi %add3A_136, %add3A_144 : i32
        %lt3A_146 = arith.constant 156 : i32
        %lt3A_147 = arith.cmpi slt, %add3A_145, %lt3A_146 : i32
        %convert_element_type3A_148 = arith.extui %lt3A_147 : i1 to i32
        %cond3A_149 = arith.constant 0 : i32
        %cond3A_150 = arith.cmpi ne, %convert_element_type3A_148, %cond3A_149 : i32
        scf.if %cond3A_150 {
          %add3A_152 = arith.constant 4 : i32
          %add3A_153 = arith.addi %add3A_136, %add3A_152 : i32
          %mul3A_154 = arith.constant 128 : i32
          %mul3A_155 = arith.muli %add3A_153, %mul3A_154 : i32
          %dma_start3A_156 = tpu.memref_slice %arg6[%mul3A_155] : memref<20000xi32, #tpu.memory_space<vmem>> -> memref<128xi32, #tpu.memory_space<vmem>>
          %dma_start3A_157 = arith.constant 0 : i32
          %dma_start3A_158 = arith.constant 0 : i32
          %dma_start3A_159 = tpu.memref_slice %arg2[%dma_start3A_157, %dma_start3A_158] : memref<10000x64xf32, #tpu.memory_space<hbm>> -> memref<10000x64xf32, #tpu.memory_space<hbm>>
          tpu.enqueue_indirect_dma source(%dma_start3A_159 : memref<10000x64xf32, #tpu.memory_space<hbm>>) target(%arg11 : memref<128x64xf32, #tpu.memory_space<vmem>>) offsets(%dma_start3A_156 : memref<128xi32, #tpu.memory_space<vmem>>) semaphore(%arg15 : memref<!tpu.dma_semaphore, #tpu.memory_space<semaphore_mem>>)
        } else {
        }
        %scan3A_151 = arith.constant 0 : i32
        scf.yield %scan3A_151 : i32
      }
      %scan3A_78 = arith.constant 39 : i32
      "tpu.region"() ({
        %run_scoped3A_79 = tpu.sem_alloc : memref<!tpu.dma_semaphore, #tpu.memory_space<semaphore_mem>>
        %dma_start3A_80 = arith.constant 0 : i32
        %dma_start3A_81 = arith.constant 0 : i32
        %dma_start3A_82 = tpu.memref_slice %arg8[%dma_start3A_80, %dma_start3A_81] : memref<128x64xf32, #tpu.memory_space<vmem>> -> memref<32x64xf32, #tpu.memory_space<vmem>>
        %dma_start3A_83 = arith.constant 19968 : i32
        %dma_start3A_84 = tpu.memref_slice %arg6[%dma_start3A_83] : memref<20000xi32, #tpu.memory_space<vmem>> -> memref<32xi32, #tpu.memory_space<vmem>>
        %dma_start3A_85 = arith.constant 0 : i32
        %dma_start3A_86 = arith.constant 0 : i32
        %dma_start3A_87 = tpu.memref_slice %arg2[%dma_start3A_85, %dma_start3A_86] : memref<10000x64xf32, #tpu.memory_space<hbm>> -> memref<10000x64xf32, #tpu.memory_space<hbm>>
        tpu.enqueue_indirect_dma source(%dma_start3A_87 : memref<10000x64xf32, #tpu.memory_space<hbm>>) target(%dma_start3A_82 : memref<32x64xf32, #tpu.memory_space<vmem>>) offsets(%dma_start3A_84 : memref<32xi32, #tpu.memory_space<vmem>>) semaphore(%run_scoped3A_79 : memref<!tpu.dma_semaphore, #tpu.memory_space<semaphore_mem>>)
        %dma_wait3A = arith.constant 0 : i32
        %dma_wait3A_88 = arith.constant 0 : i32
        %dma_wait3A_89 = tpu.memref_slice %arg8[%dma_wait3A, %dma_wait3A_88] : memref<128x64xf32, #tpu.memory_space<vmem>> -> memref<32x64xf32, #tpu.memory_space<vmem>>
        %dma_wait3A_90 = arith.constant 19968 : i32
        %dma_wait3A_91 = tpu.memref_slice %arg6[%dma_wait3A_90] : memref<20000xi32, #tpu.memory_space<vmem>> -> memref<32xi32, #tpu.memory_space<vmem>>
        %dma_wait3A_92 = arith.constant 0 : i32
        %dma_wait3A_93 = arith.constant 0 : i32
        %dma_wait3A_94 = tpu.memref_slice %arg2[%dma_wait3A_92, %dma_wait3A_93] : memref<10000x64xf32, #tpu.memory_space<hbm>> -> memref<10000x64xf32, #tpu.memory_space<hbm>>
        tpu.wait_indirect_dma semaphore(%run_scoped3A_79 : memref<!tpu.dma_semaphore, #tpu.memory_space<semaphore_mem>>) src(%dma_wait3A_94 : memref<10000x64xf32, #tpu.memory_space<hbm>>) dst(%dma_wait3A_89 : memref<32x64xf32, #tpu.memory_space<vmem>>)
        tpu.yield
      }) : () -> ()
      "tpu.region"() ({
        %run_scoped3A_79 = tpu.sem_alloc : memref<!tpu.dma_semaphore, #tpu.memory_space<semaphore_mem>>
        %dma_start3A_80 = arith.constant 0 : i32
        %dma_start3A_81 = arith.constant 0 : i32
        %dma_start3A_82 = tpu.memref_slice %arg8[%dma_start3A_80, %dma_start3A_81] : memref<128x64xf32, #tpu.memory_space<vmem>> -> memref<32x64xf32, #tpu.memory_space<vmem>>
        %dma_start3A_83 = arith.constant 19968 : i32
        %dma_start3A_84 = tpu.memref_slice %arg7[%dma_start3A_83] : memref<20000xi32, #tpu.memory_space<vmem>> -> memref<32xi32, #tpu.memory_space<vmem>>
        %dma_start3A_85 = arith.constant 0 : i32
        %dma_start3A_86 = arith.constant 0 : i32
        %dma_start3A_87 = tpu.memref_slice %arg16[%dma_start3A_85, %dma_start3A_86] : memref<10240x64xf32, #tpu.memory_space<vmem_shared>> -> memref<10240x64xf32, #tpu.memory_space<vmem_shared>>
        tpu.enqueue_indirect_dma source(%dma_start3A_82 : memref<32x64xf32, #tpu.memory_space<vmem>>) target(%dma_start3A_87 : memref<10240x64xf32, #tpu.memory_space<vmem_shared>>) offsets(%dma_start3A_84 : memref<32xi32, #tpu.memory_space<vmem>>) semaphore(%run_scoped3A_79 : memref<!tpu.dma_semaphore, #tpu.memory_space<semaphore_mem>>) {add = true}
        %dma_wait3A = arith.constant 0 : i32
        %dma_wait3A_88 = arith.constant 0 : i32
        %dma_wait3A_89 = tpu.memref_slice %arg8[%dma_wait3A, %dma_wait3A_88] : memref<128x64xf32, #tpu.memory_space<vmem>> -> memref<32x64xf32, #tpu.memory_space<vmem>>
        %dma_wait3A_90 = arith.constant 19968 : i32
        %dma_wait3A_91 = tpu.memref_slice %arg7[%dma_wait3A_90] : memref<20000xi32, #tpu.memory_space<vmem>> -> memref<32xi32, #tpu.memory_space<vmem>>
        %dma_wait3A_92 = arith.constant 0 : i32
        %dma_wait3A_93 = arith.constant 0 : i32
        %dma_wait3A_94 = tpu.memref_slice %arg16[%dma_wait3A_92, %dma_wait3A_93] : memref<10240x64xf32, #tpu.memory_space<vmem_shared>> -> memref<10240x64xf32, #tpu.memory_space<vmem_shared>>
        tpu.wait_indirect_dma semaphore(%run_scoped3A_79 : memref<!tpu.dma_semaphore, #tpu.memory_space<semaphore_mem>>) src(%dma_wait3A_89 : memref<32x64xf32, #tpu.memory_space<vmem>>) dst(%dma_wait3A_94 : memref<10240x64xf32, #tpu.memory_space<vmem_shared>>)
        tpu.yield
      }) : () -> ()
    } else {
    }
    %eq3A_27 = arith.constant 1 : i32
    %eq3A_28 = arith.cmpi eq, %arg0, %eq3A_27 : i32
    %convert_element_type3A_29 = arith.extui %eq3A_28 : i1 to i32
    %cond3A_30 = arith.constant 0 : i32
    %cond3A_31 = arith.cmpi ne, %convert_element_type3A_29, %cond3A_30 : i32
    scf.if %cond3A_31 {
      %dma_start3A = arith.constant 0 : i32
      %dma_start3A_53 = tpu.memref_slice %arg6[%dma_start3A] : memref<20000xi32, #tpu.memory_space<vmem>> -> memref<128xi32, #tpu.memory_space<vmem>>
      %dma_start3A_54 = arith.constant 0 : i32
      %dma_start3A_55 = arith.constant 0 : i32
      %dma_start3A_56 = tpu.memref_slice %arg3[%dma_start3A_54, %dma_start3A_55] : memref<10000x64xf32, #tpu.memory_space<hbm>> -> memref<10000x64xf32, #tpu.memory_space<hbm>>
      tpu.enqueue_indirect_dma source(%dma_start3A_56 : memref<10000x64xf32, #tpu.memory_space<hbm>>) target(%arg8 : memref<128x64xf32, #tpu.memory_space<vmem>>) offsets(%dma_start3A_53 : memref<128xi32, #tpu.memory_space<vmem>>) semaphore(%arg12 : memref<!tpu.dma_semaphore, #tpu.memory_space<semaphore_mem>>)
      %dma_start3A_57 = arith.constant 128 : i32
      %dma_start3A_58 = tpu.memref_slice %arg6[%dma_start3A_57] : memref<20000xi32, #tpu.memory_space<vmem>> -> memref<128xi32, #tpu.memory_space<vmem>>
      %dma_start3A_59 = arith.constant 0 : i32
      %dma_start3A_60 = arith.constant 0 : i32
      %dma_start3A_61 = tpu.memref_slice %arg3[%dma_start3A_59, %dma_start3A_60] : memref<10000x64xf32, #tpu.memory_space<hbm>> -> memref<10000x64xf32, #tpu.memory_space<hbm>>
      tpu.enqueue_indirect_dma source(%dma_start3A_61 : memref<10000x64xf32, #tpu.memory_space<hbm>>) target(%arg9 : memref<128x64xf32, #tpu.memory_space<vmem>>) offsets(%dma_start3A_58 : memref<128xi32, #tpu.memory_space<vmem>>) semaphore(%arg13 : memref<!tpu.dma_semaphore, #tpu.memory_space<semaphore_mem>>)
      %dma_start3A_62 = arith.constant 256 : i32
      %dma_start3A_63 = tpu.memref_slice %arg6[%dma_start3A_62] : memref<20000xi32, #tpu.memory_space<vmem>> -> memref<128xi32, #tpu.memory_space<vmem>>
      %dma_start3A_64 = arith.constant 0 : i32
      %dma_start3A_65 = arith.constant 0 : i32
      %dma_start3A_66 = tpu.memref_slice %arg3[%dma_start3A_64, %dma_start3A_65] : memref<10000x64xf32, #tpu.memory_space<hbm>> -> memref<10000x64xf32, #tpu.memory_space<hbm>>
      tpu.enqueue_indirect_dma source(%dma_start3A_66 : memref<10000x64xf32, #tpu.memory_space<hbm>>) target(%arg10 : memref<128x64xf32, #tpu.memory_space<vmem>>) offsets(%dma_start3A_63 : memref<128xi32, #tpu.memory_space<vmem>>) semaphore(%arg14 : memref<!tpu.dma_semaphore, #tpu.memory_space<semaphore_mem>>)
      %dma_start3A_67 = arith.constant 384 : i32
      %dma_start3A_68 = tpu.memref_slice %arg6[%dma_start3A_67] : memref<20000xi32, #tpu.memory_space<vmem>> -> memref<128xi32, #tpu.memory_space<vmem>>
      %dma_start3A_69 = arith.constant 0 : i32
      %dma_start3A_70 = arith.constant 0 : i32
      %dma_start3A_71 = tpu.memref_slice %arg3[%dma_start3A_69, %dma_start3A_70] : memref<10000x64xf32, #tpu.memory_space<hbm>> -> memref<10000x64xf32, #tpu.memory_space<hbm>>
      tpu.enqueue_indirect_dma source(%dma_start3A_71 : memref<10000x64xf32, #tpu.memory_space<hbm>>) target(%arg11 : memref<128x64xf32, #tpu.memory_space<vmem>>) offsets(%dma_start3A_68 : memref<128xi32, #tpu.memory_space<vmem>>) semaphore(%arg15 : memref<!tpu.dma_semaphore, #tpu.memory_space<semaphore_mem>>)
      %scan3A_72 = arith.constant 0 : i32
      %scan3A_73 = arith.constant 0 : i32
      %scan3A_74 = arith.constant 39 : i32
      %scan3A_75 = arith.addi %scan3A_73, %scan3A_74 : i32
      %scan3A_76 = arith.constant 1 : i32
      %scan3A_77 = scf.for %scan3A_79 = %scan3A_73 to %scan3A_75 step %scan3A_76 iter_args(%scan3A_80 = %scan3A_72) -> (i32)  : i32 {
        %mul3A_81 = arith.constant 4 : i32
        %mul3A_82 = arith.muli %scan3A_79, %mul3A_81 : i32
        %add3A_83 = arith.constant 0 : i32
        %add3A_84 = arith.addi %mul3A_82, %add3A_83 : i32
        %dma_wait3A = arith.constant 0 : i32
        %dma_wait3A_85 = tpu.memref_slice %arg6[%dma_wait3A] : memref<20000xi32, #tpu.memory_space<vmem>> -> memref<128xi32, #tpu.memory_space<vmem>>
        %dma_wait3A_86 = arith.constant 0 : i32
        %dma_wait3A_87 = arith.constant 0 : i32
        %dma_wait3A_88 = tpu.memref_slice %arg3[%dma_wait3A_86, %dma_wait3A_87] : memref<10000x64xf32, #tpu.memory_space<hbm>> -> memref<10000x64xf32, #tpu.memory_space<hbm>>
        tpu.wait_indirect_dma semaphore(%arg12 : memref<!tpu.dma_semaphore, #tpu.memory_space<semaphore_mem>>) src(%dma_wait3A_88 : memref<10000x64xf32, #tpu.memory_space<hbm>>) dst(%arg8 : memref<128x64xf32, #tpu.memory_space<vmem>>)
        %mul3A_89 = arith.constant 128 : i32
        %mul3A_90 = arith.muli %add3A_84, %mul3A_89 : i32
        "tpu.region"() ({
          %run_scoped3A_152 = tpu.sem_alloc : memref<!tpu.dma_semaphore, #tpu.memory_space<semaphore_mem>>
          %dma_start3A_153 = tpu.memref_slice %arg7[%mul3A_90] : memref<20000xi32, #tpu.memory_space<vmem>> -> memref<128xi32, #tpu.memory_space<vmem>>
          %dma_start3A_154 = arith.constant 0 : i32
          %dma_start3A_155 = arith.constant 0 : i32
          %dma_start3A_156 = tpu.memref_slice %arg16[%dma_start3A_154, %dma_start3A_155] : memref<10240x64xf32, #tpu.memory_space<vmem_shared>> -> memref<10240x64xf32, #tpu.memory_space<vmem_shared>>
          tpu.enqueue_indirect_dma source(%arg8 : memref<128x64xf32, #tpu.memory_space<vmem>>) target(%dma_start3A_156 : memref<10240x64xf32, #tpu.memory_space<vmem_shared>>) offsets(%dma_start3A_153 : memref<128xi32, #tpu.memory_space<vmem>>) semaphore(%run_scoped3A_152 : memref<!tpu.dma_semaphore, #tpu.memory_space<semaphore_mem>>) {add = true}
          %dma_wait3A_157 = tpu.memref_slice %arg7[%mul3A_90] : memref<20000xi32, #tpu.memory_space<vmem>> -> memref<128xi32, #tpu.memory_space<vmem>>
          %dma_wait3A_158 = arith.constant 0 : i32
          %dma_wait3A_159 = arith.constant 0 : i32
          %dma_wait3A_160 = tpu.memref_slice %arg16[%dma_wait3A_158, %dma_wait3A_159] : memref<10240x64xf32, #tpu.memory_space<vmem_shared>> -> memref<10240x64xf32, #tpu.memory_space<vmem_shared>>
          tpu.wait_indirect_dma semaphore(%run_scoped3A_152 : memref<!tpu.dma_semaphore, #tpu.memory_space<semaphore_mem>>) src(%arg8 : memref<128x64xf32, #tpu.memory_space<vmem>>) dst(%dma_wait3A_160 : memref<10240x64xf32, #tpu.memory_space<vmem_shared>>)
          tpu.yield
        }) : () -> ()
        %add3A_91 = arith.constant 4 : i32
        %add3A_92 = arith.addi %add3A_84, %add3A_91 : i32
        %lt3A = arith.constant 156 : i32
        %lt3A_93 = arith.cmpi slt, %add3A_92, %lt3A : i32
        %convert_element_type3A_94 = arith.extui %lt3A_93 : i1 to i32
        %cond3A_95 = arith.constant 0 : i32
        %cond3A_96 = arith.cmpi ne, %convert_element_type3A_94, %cond3A_95 : i32
        scf.if %cond3A_96 {
          %add3A_152 = arith.constant 4 : i32
          %add3A_153 = arith.addi %add3A_84, %add3A_152 : i32
          %mul3A_154 = arith.constant 128 : i32
          %mul3A_155 = arith.muli %add3A_153, %mul3A_154 : i32
          %dma_start3A_156 = tpu.memref_slice %arg6[%mul3A_155] : memref<20000xi32, #tpu.memory_space<vmem>> -> memref<128xi32, #tpu.memory_space<vmem>>
          %dma_start3A_157 = arith.constant 0 : i32
          %dma_start3A_158 = arith.constant 0 : i32
          %dma_start3A_159 = tpu.memref_slice %arg3[%dma_start3A_157, %dma_start3A_158] : memref<10000x64xf32, #tpu.memory_space<hbm>> -> memref<10000x64xf32, #tpu.memory_space<hbm>>
          tpu.enqueue_indirect_dma source(%dma_start3A_159 : memref<10000x64xf32, #tpu.memory_space<hbm>>) target(%arg8 : memref<128x64xf32, #tpu.memory_space<vmem>>) offsets(%dma_start3A_156 : memref<128xi32, #tpu.memory_space<vmem>>) semaphore(%arg12 : memref<!tpu.dma_semaphore, #tpu.memory_space<semaphore_mem>>)
        } else {
        }
        %mul3A_97 = arith.constant 4 : i32
        %mul3A_98 = arith.muli %scan3A_79, %mul3A_97 : i32
        %add3A_99 = arith.constant 1 : i32
        %add3A_100 = arith.addi %mul3A_98, %add3A_99 : i32
        %dma_wait3A_101 = arith.constant 0 : i32
        %dma_wait3A_102 = tpu.memref_slice %arg6[%dma_wait3A_101] : memref<20000xi32, #tpu.memory_space<vmem>> -> memref<128xi32, #tpu.memory_space<vmem>>
        %dma_wait3A_103 = arith.constant 0 : i32
        %dma_wait3A_104 = arith.constant 0 : i32
        %dma_wait3A_105 = tpu.memref_slice %arg3[%dma_wait3A_103, %dma_wait3A_104] : memref<10000x64xf32, #tpu.memory_space<hbm>> -> memref<10000x64xf32, #tpu.memory_space<hbm>>
        tpu.wait_indirect_dma semaphore(%arg13 : memref<!tpu.dma_semaphore, #tpu.memory_space<semaphore_mem>>) src(%dma_wait3A_105 : memref<10000x64xf32, #tpu.memory_space<hbm>>) dst(%arg9 : memref<128x64xf32, #tpu.memory_space<vmem>>)
        %mul3A_106 = arith.constant 128 : i32
        %mul3A_107 = arith.muli %add3A_100, %mul3A_106 : i32
        "tpu.region"() ({
          %run_scoped3A_152 = tpu.sem_alloc : memref<!tpu.dma_semaphore, #tpu.memory_space<semaphore_mem>>
          %dma_start3A_153 = tpu.memref_slice %arg7[%mul3A_107] : memref<20000xi32, #tpu.memory_space<vmem>> -> memref<128xi32, #tpu.memory_space<vmem>>
          %dma_start3A_154 = arith.constant 0 : i32
          %dma_start3A_155 = arith.constant 0 : i32
          %dma_start3A_156 = tpu.memref_slice %arg16[%dma_start3A_154, %dma_start3A_155] : memref<10240x64xf32, #tpu.memory_space<vmem_shared>> -> memref<10240x64xf32, #tpu.memory_space<vmem_shared>>
          tpu.enqueue_indirect_dma source(%arg9 : memref<128x64xf32, #tpu.memory_space<vmem>>) target(%dma_start3A_156 : memref<10240x64xf32, #tpu.memory_space<vmem_shared>>) offsets(%dma_start3A_153 : memref<128xi32, #tpu.memory_space<vmem>>) semaphore(%run_scoped3A_152 : memref<!tpu.dma_semaphore, #tpu.memory_space<semaphore_mem>>) {add = true}
          %dma_wait3A_157 = tpu.memref_slice %arg7[%mul3A_107] : memref<20000xi32, #tpu.memory_space<vmem>> -> memref<128xi32, #tpu.memory_space<vmem>>
          %dma_wait3A_158 = arith.constant 0 : i32
          %dma_wait3A_159 = arith.constant 0 : i32
          %dma_wait3A_160 = tpu.memref_slice %arg16[%dma_wait3A_158, %dma_wait3A_159] : memref<10240x64xf32, #tpu.memory_space<vmem_shared>> -> memref<10240x64xf32, #tpu.memory_space<vmem_shared>>
          tpu.wait_indirect_dma semaphore(%run_scoped3A_152 : memref<!tpu.dma_semaphore, #tpu.memory_space<semaphore_mem>>) src(%arg9 : memref<128x64xf32, #tpu.memory_space<vmem>>) dst(%dma_wait3A_160 : memref<10240x64xf32, #tpu.memory_space<vmem_shared>>)
          tpu.yield
        }) : () -> ()
        %add3A_108 = arith.constant 4 : i32
        %add3A_109 = arith.addi %add3A_100, %add3A_108 : i32
        %lt3A_110 = arith.constant 156 : i32
        %lt3A_111 = arith.cmpi slt, %add3A_109, %lt3A_110 : i32
        %convert_element_type3A_112 = arith.extui %lt3A_111 : i1 to i32
        %cond3A_113 = arith.constant 0 : i32
        %cond3A_114 = arith.cmpi ne, %convert_element_type3A_112, %cond3A_113 : i32
        scf.if %cond3A_114 {
          %add3A_152 = arith.constant 4 : i32
          %add3A_153 = arith.addi %add3A_100, %add3A_152 : i32
          %mul3A_154 = arith.constant 128 : i32
          %mul3A_155 = arith.muli %add3A_153, %mul3A_154 : i32
          %dma_start3A_156 = tpu.memref_slice %arg6[%mul3A_155] : memref<20000xi32, #tpu.memory_space<vmem>> -> memref<128xi32, #tpu.memory_space<vmem>>
          %dma_start3A_157 = arith.constant 0 : i32
          %dma_start3A_158 = arith.constant 0 : i32
          %dma_start3A_159 = tpu.memref_slice %arg3[%dma_start3A_157, %dma_start3A_158] : memref<10000x64xf32, #tpu.memory_space<hbm>> -> memref<10000x64xf32, #tpu.memory_space<hbm>>
          tpu.enqueue_indirect_dma source(%dma_start3A_159 : memref<10000x64xf32, #tpu.memory_space<hbm>>) target(%arg9 : memref<128x64xf32, #tpu.memory_space<vmem>>) offsets(%dma_start3A_156 : memref<128xi32, #tpu.memory_space<vmem>>) semaphore(%arg13 : memref<!tpu.dma_semaphore, #tpu.memory_space<semaphore_mem>>)
        } else {
        }
        %mul3A_115 = arith.constant 4 : i32
        %mul3A_116 = arith.muli %scan3A_79, %mul3A_115 : i32
        %add3A_117 = arith.constant 2 : i32
        %add3A_118 = arith.addi %mul3A_116, %add3A_117 : i32
        %dma_wait3A_119 = arith.constant 0 : i32
        %dma_wait3A_120 = tpu.memref_slice %arg6[%dma_wait3A_119] : memref<20000xi32, #tpu.memory_space<vmem>> -> memref<128xi32, #tpu.memory_space<vmem>>
        %dma_wait3A_121 = arith.constant 0 : i32
        %dma_wait3A_122 = arith.constant 0 : i32
        %dma_wait3A_123 = tpu.memref_slice %arg3[%dma_wait3A_121, %dma_wait3A_122] : memref<10000x64xf32, #tpu.memory_space<hbm>> -> memref<10000x64xf32, #tpu.memory_space<hbm>>
        tpu.wait_indirect_dma semaphore(%arg14 : memref<!tpu.dma_semaphore, #tpu.memory_space<semaphore_mem>>) src(%dma_wait3A_123 : memref<10000x64xf32, #tpu.memory_space<hbm>>) dst(%arg10 : memref<128x64xf32, #tpu.memory_space<vmem>>)
        %mul3A_124 = arith.constant 128 : i32
        %mul3A_125 = arith.muli %add3A_118, %mul3A_124 : i32
        "tpu.region"() ({
          %run_scoped3A_152 = tpu.sem_alloc : memref<!tpu.dma_semaphore, #tpu.memory_space<semaphore_mem>>
          %dma_start3A_153 = tpu.memref_slice %arg7[%mul3A_125] : memref<20000xi32, #tpu.memory_space<vmem>> -> memref<128xi32, #tpu.memory_space<vmem>>
          %dma_start3A_154 = arith.constant 0 : i32
          %dma_start3A_155 = arith.constant 0 : i32
          %dma_start3A_156 = tpu.memref_slice %arg16[%dma_start3A_154, %dma_start3A_155] : memref<10240x64xf32, #tpu.memory_space<vmem_shared>> -> memref<10240x64xf32, #tpu.memory_space<vmem_shared>>
          tpu.enqueue_indirect_dma source(%arg10 : memref<128x64xf32, #tpu.memory_space<vmem>>) target(%dma_start3A_156 : memref<10240x64xf32, #tpu.memory_space<vmem_shared>>) offsets(%dma_start3A_153 : memref<128xi32, #tpu.memory_space<vmem>>) semaphore(%run_scoped3A_152 : memref<!tpu.dma_semaphore, #tpu.memory_space<semaphore_mem>>) {add = true}
          %dma_wait3A_157 = tpu.memref_slice %arg7[%mul3A_125] : memref<20000xi32, #tpu.memory_space<vmem>> -> memref<128xi32, #tpu.memory_space<vmem>>
          %dma_wait3A_158 = arith.constant 0 : i32
          %dma_wait3A_159 = arith.constant 0 : i32
          %dma_wait3A_160 = tpu.memref_slice %arg16[%dma_wait3A_158, %dma_wait3A_159] : memref<10240x64xf32, #tpu.memory_space<vmem_shared>> -> memref<10240x64xf32, #tpu.memory_space<vmem_shared>>
          tpu.wait_indirect_dma semaphore(%run_scoped3A_152 : memref<!tpu.dma_semaphore, #tpu.memory_space<semaphore_mem>>) src(%arg10 : memref<128x64xf32, #tpu.memory_space<vmem>>) dst(%dma_wait3A_160 : memref<10240x64xf32, #tpu.memory_space<vmem_shared>>)
          tpu.yield
        }) : () -> ()
        %add3A_126 = arith.constant 4 : i32
        %add3A_127 = arith.addi %add3A_118, %add3A_126 : i32
        %lt3A_128 = arith.constant 156 : i32
        %lt3A_129 = arith.cmpi slt, %add3A_127, %lt3A_128 : i32
        %convert_element_type3A_130 = arith.extui %lt3A_129 : i1 to i32
        %cond3A_131 = arith.constant 0 : i32
        %cond3A_132 = arith.cmpi ne, %convert_element_type3A_130, %cond3A_131 : i32
        scf.if %cond3A_132 {
          %add3A_152 = arith.constant 4 : i32
          %add3A_153 = arith.addi %add3A_118, %add3A_152 : i32
          %mul3A_154 = arith.constant 128 : i32
          %mul3A_155 = arith.muli %add3A_153, %mul3A_154 : i32
          %dma_start3A_156 = tpu.memref_slice %arg6[%mul3A_155] : memref<20000xi32, #tpu.memory_space<vmem>> -> memref<128xi32, #tpu.memory_space<vmem>>
          %dma_start3A_157 = arith.constant 0 : i32
          %dma_start3A_158 = arith.constant 0 : i32
          %dma_start3A_159 = tpu.memref_slice %arg3[%dma_start3A_157, %dma_start3A_158] : memref<10000x64xf32, #tpu.memory_space<hbm>> -> memref<10000x64xf32, #tpu.memory_space<hbm>>
          tpu.enqueue_indirect_dma source(%dma_start3A_159 : memref<10000x64xf32, #tpu.memory_space<hbm>>) target(%arg10 : memref<128x64xf32, #tpu.memory_space<vmem>>) offsets(%dma_start3A_156 : memref<128xi32, #tpu.memory_space<vmem>>) semaphore(%arg14 : memref<!tpu.dma_semaphore, #tpu.memory_space<semaphore_mem>>)
        } else {
        }
        %mul3A_133 = arith.constant 4 : i32
        %mul3A_134 = arith.muli %scan3A_79, %mul3A_133 : i32
        %add3A_135 = arith.constant 3 : i32
        %add3A_136 = arith.addi %mul3A_134, %add3A_135 : i32
        %dma_wait3A_137 = arith.constant 0 : i32
        %dma_wait3A_138 = tpu.memref_slice %arg6[%dma_wait3A_137] : memref<20000xi32, #tpu.memory_space<vmem>> -> memref<128xi32, #tpu.memory_space<vmem>>
        %dma_wait3A_139 = arith.constant 0 : i32
        %dma_wait3A_140 = arith.constant 0 : i32
        %dma_wait3A_141 = tpu.memref_slice %arg3[%dma_wait3A_139, %dma_wait3A_140] : memref<10000x64xf32, #tpu.memory_space<hbm>> -> memref<10000x64xf32, #tpu.memory_space<hbm>>
        tpu.wait_indirect_dma semaphore(%arg15 : memref<!tpu.dma_semaphore, #tpu.memory_space<semaphore_mem>>) src(%dma_wait3A_141 : memref<10000x64xf32, #tpu.memory_space<hbm>>) dst(%arg11 : memref<128x64xf32, #tpu.memory_space<vmem>>)
        %mul3A_142 = arith.constant 128 : i32
        %mul3A_143 = arith.muli %add3A_136, %mul3A_142 : i32
        "tpu.region"() ({
          %run_scoped3A_152 = tpu.sem_alloc : memref<!tpu.dma_semaphore, #tpu.memory_space<semaphore_mem>>
          %dma_start3A_153 = tpu.memref_slice %arg7[%mul3A_143] : memref<20000xi32, #tpu.memory_space<vmem>> -> memref<128xi32, #tpu.memory_space<vmem>>
          %dma_start3A_154 = arith.constant 0 : i32
          %dma_start3A_155 = arith.constant 0 : i32
          %dma_start3A_156 = tpu.memref_slice %arg16[%dma_start3A_154, %dma_start3A_155] : memref<10240x64xf32, #tpu.memory_space<vmem_shared>> -> memref<10240x64xf32, #tpu.memory_space<vmem_shared>>
          tpu.enqueue_indirect_dma source(%arg11 : memref<128x64xf32, #tpu.memory_space<vmem>>) target(%dma_start3A_156 : memref<10240x64xf32, #tpu.memory_space<vmem_shared>>) offsets(%dma_start3A_153 : memref<128xi32, #tpu.memory_space<vmem>>) semaphore(%run_scoped3A_152 : memref<!tpu.dma_semaphore, #tpu.memory_space<semaphore_mem>>) {add = true}
          %dma_wait3A_157 = tpu.memref_slice %arg7[%mul3A_143] : memref<20000xi32, #tpu.memory_space<vmem>> -> memref<128xi32, #tpu.memory_space<vmem>>
          %dma_wait3A_158 = arith.constant 0 : i32
          %dma_wait3A_159 = arith.constant 0 : i32
          %dma_wait3A_160 = tpu.memref_slice %arg16[%dma_wait3A_158, %dma_wait3A_159] : memref<10240x64xf32, #tpu.memory_space<vmem_shared>> -> memref<10240x64xf32, #tpu.memory_space<vmem_shared>>
          tpu.wait_indirect_dma semaphore(%run_scoped3A_152 : memref<!tpu.dma_semaphore, #tpu.memory_space<semaphore_mem>>) src(%arg11 : memref<128x64xf32, #tpu.memory_space<vmem>>) dst(%dma_wait3A_160 : memref<10240x64xf32, #tpu.memory_space<vmem_shared>>)
          tpu.yield
        }) : () -> ()
        %add3A_144 = arith.constant 4 : i32
        %add3A_145 = arith.addi %add3A_136, %add3A_144 : i32
        %lt3A_146 = arith.constant 156 : i32
        %lt3A_147 = arith.cmpi slt, %add3A_145, %lt3A_146 : i32
        %convert_element_type3A_148 = arith.extui %lt3A_147 : i1 to i32
        %cond3A_149 = arith.constant 0 : i32
        %cond3A_150 = arith.cmpi ne, %convert_element_type3A_148, %cond3A_149 : i32
        scf.if %cond3A_150 {
          %add3A_152 = arith.constant 4 : i32
          %add3A_153 = arith.addi %add3A_136, %add3A_152 : i32
          %mul3A_154 = arith.constant 128 : i32
          %mul3A_155 = arith.muli %add3A_153, %mul3A_154 : i32
          %dma_start3A_156 = tpu.memref_slice %arg6[%mul3A_155] : memref<20000xi32, #tpu.memory_space<vmem>> -> memref<128xi32, #tpu.memory_space<vmem>>
          %dma_start3A_157 = arith.constant 0 : i32
          %dma_start3A_158 = arith.constant 0 : i32
          %dma_start3A_159 = tpu.memref_slice %arg3[%dma_start3A_157, %dma_start3A_158] : memref<10000x64xf32, #tpu.memory_space<hbm>> -> memref<10000x64xf32, #tpu.memory_space<hbm>>
          tpu.enqueue_indirect_dma source(%dma_start3A_159 : memref<10000x64xf32, #tpu.memory_space<hbm>>) target(%arg11 : memref<128x64xf32, #tpu.memory_space<vmem>>) offsets(%dma_start3A_156 : memref<128xi32, #tpu.memory_space<vmem>>) semaphore(%arg15 : memref<!tpu.dma_semaphore, #tpu.memory_space<semaphore_mem>>)
        } else {
        }
        %scan3A_151 = arith.constant 0 : i32
        scf.yield %scan3A_151 : i32
      }
      %scan3A_78 = arith.constant 39 : i32
      "tpu.region"() ({
        %run_scoped3A_79 = tpu.sem_alloc : memref<!tpu.dma_semaphore, #tpu.memory_space<semaphore_mem>>
        %dma_start3A_80 = arith.constant 0 : i32
        %dma_start3A_81 = arith.constant 0 : i32
        %dma_start3A_82 = tpu.memref_slice %arg8[%dma_start3A_80, %dma_start3A_81] : memref<128x64xf32, #tpu.memory_space<vmem>> -> memref<32x64xf32, #tpu.memory_space<vmem>>
        %dma_start3A_83 = arith.constant 19968 : i32
        %dma_start3A_84 = tpu.memref_slice %arg6[%dma_start3A_83] : memref<20000xi32, #tpu.memory_space<vmem>> -> memref<32xi32, #tpu.memory_space<vmem>>
        %dma_start3A_85 = arith.constant 0 : i32
        %dma_start3A_86 = arith.constant 0 : i32
        %dma_start3A_87 = tpu.memref_slice %arg3[%dma_start3A_85, %dma_start3A_86] : memref<10000x64xf32, #tpu.memory_space<hbm>> -> memref<10000x64xf32, #tpu.memory_space<hbm>>
        tpu.enqueue_indirect_dma source(%dma_start3A_87 : memref<10000x64xf32, #tpu.memory_space<hbm>>) target(%dma_start3A_82 : memref<32x64xf32, #tpu.memory_space<vmem>>) offsets(%dma_start3A_84 : memref<32xi32, #tpu.memory_space<vmem>>) semaphore(%run_scoped3A_79 : memref<!tpu.dma_semaphore, #tpu.memory_space<semaphore_mem>>)
        %dma_wait3A = arith.constant 0 : i32
        %dma_wait3A_88 = arith.constant 0 : i32
        %dma_wait3A_89 = tpu.memref_slice %arg8[%dma_wait3A, %dma_wait3A_88] : memref<128x64xf32, #tpu.memory_space<vmem>> -> memref<32x64xf32, #tpu.memory_space<vmem>>
        %dma_wait3A_90 = arith.constant 19968 : i32
        %dma_wait3A_91 = tpu.memref_slice %arg6[%dma_wait3A_90] : memref<20000xi32, #tpu.memory_space<vmem>> -> memref<32xi32, #tpu.memory_space<vmem>>
        %dma_wait3A_92 = arith.constant 0 : i32
        %dma_wait3A_93 = arith.constant 0 : i32
        %dma_wait3A_94 = tpu.memref_slice %arg3[%dma_wait3A_92, %dma_wait3A_93] : memref<10000x64xf32, #tpu.memory_space<hbm>> -> memref<10000x64xf32, #tpu.memory_space<hbm>>
        tpu.wait_indirect_dma semaphore(%run_scoped3A_79 : memref<!tpu.dma_semaphore, #tpu.memory_space<semaphore_mem>>) src(%dma_wait3A_94 : memref<10000x64xf32, #tpu.memory_space<hbm>>) dst(%dma_wait3A_89 : memref<32x64xf32, #tpu.memory_space<vmem>>)
        tpu.yield
      }) : () -> ()
      "tpu.region"() ({
        %run_scoped3A_79 = tpu.sem_alloc : memref<!tpu.dma_semaphore, #tpu.memory_space<semaphore_mem>>
        %dma_start3A_80 = arith.constant 0 : i32
        %dma_start3A_81 = arith.constant 0 : i32
        %dma_start3A_82 = tpu.memref_slice %arg8[%dma_start3A_80, %dma_start3A_81] : memref<128x64xf32, #tpu.memory_space<vmem>> -> memref<32x64xf32, #tpu.memory_space<vmem>>
        %dma_start3A_83 = arith.constant 19968 : i32
        %dma_start3A_84 = tpu.memref_slice %arg7[%dma_start3A_83] : memref<20000xi32, #tpu.memory_space<vmem>> -> memref<32xi32, #tpu.memory_space<vmem>>
        %dma_start3A_85 = arith.constant 0 : i32
        %dma_start3A_86 = arith.constant 0 : i32
        %dma_start3A_87 = tpu.memref_slice %arg16[%dma_start3A_85, %dma_start3A_86] : memref<10240x64xf32, #tpu.memory_space<vmem_shared>> -> memref<10240x64xf32, #tpu.memory_space<vmem_shared>>
        tpu.enqueue_indirect_dma source(%dma_start3A_82 : memref<32x64xf32, #tpu.memory_space<vmem>>) target(%dma_start3A_87 : memref<10240x64xf32, #tpu.memory_space<vmem_shared>>) offsets(%dma_start3A_84 : memref<32xi32, #tpu.memory_space<vmem>>) semaphore(%run_scoped3A_79 : memref<!tpu.dma_semaphore, #tpu.memory_space<semaphore_mem>>) {add = true}
        %dma_wait3A = arith.constant 0 : i32
        %dma_wait3A_88 = arith.constant 0 : i32
        %dma_wait3A_89 = tpu.memref_slice %arg8[%dma_wait3A, %dma_wait3A_88] : memref<128x64xf32, #tpu.memory_space<vmem>> -> memref<32x64xf32, #tpu.memory_space<vmem>>
        %dma_wait3A_90 = arith.constant 19968 : i32
        %dma_wait3A_91 = tpu.memref_slice %arg7[%dma_wait3A_90] : memref<20000xi32, #tpu.memory_space<vmem>> -> memref<32xi32, #tpu.memory_space<vmem>>
        %dma_wait3A_92 = arith.constant 0 : i32
        %dma_wait3A_93 = arith.constant 0 : i32
        %dma_wait3A_94 = tpu.memref_slice %arg16[%dma_wait3A_92, %dma_wait3A_93] : memref<10240x64xf32, #tpu.memory_space<vmem_shared>> -> memref<10240x64xf32, #tpu.memory_space<vmem_shared>>
        tpu.wait_indirect_dma semaphore(%run_scoped3A_79 : memref<!tpu.dma_semaphore, #tpu.memory_space<semaphore_mem>>) src(%dma_wait3A_89 : memref<32x64xf32, #tpu.memory_space<vmem>>) dst(%dma_wait3A_94 : memref<10240x64xf32, #tpu.memory_space<vmem_shared>>)
        tpu.yield
      }) : () -> ()
    } else {
    }
    %barrier3A_32 = arith.constant 0 : index
    tpu.barrier barrier_id(%barrier3A_32)
    %add3A_33 = arith.constant 0 : i32
    %add3A_34 = arith.addi %mul3A_0, %add3A_33 : i32
    "tpu.region"() ({
      %run_scoped3A_53 = tpu.sem_alloc : memref<!tpu.dma_semaphore, #tpu.memory_space<semaphore_mem>>
      %dma_start3A = arith.constant 0 : i32
      %dma_start3A_54 = tpu.memref_slice %arg16[%add3A_34, %dma_start3A] : memref<10240x64xf32, #tpu.memory_space<vmem_shared>> -> memref<128x64xf32, #tpu.memory_space<vmem_shared>>
      %dma_start3A_55 = arith.constant 0 : i32
      %dma_start3A_56 = tpu.memref_slice %arg16[%add3A_34, %dma_start3A_55] : memref<10240x64xf32, #tpu.memory_space<vmem_shared>> -> memref<128x64xf32, #tpu.memory_space<vmem_shared>>
      tpu.enqueue_dma source(%dma_start3A_56 : memref<128x64xf32, #tpu.memory_space<vmem_shared>>) target(%arg8 : memref<128x64xf32, #tpu.memory_space<vmem>>) target_semaphore(%run_scoped3A_53 : memref<!tpu.dma_semaphore, #tpu.memory_space<semaphore_mem>>)
      %dma_wait3A = arith.constant 0 : i32
      %dma_wait3A_57 = tpu.memref_slice %arg16[%add3A_34, %dma_wait3A] : memref<10240x64xf32, #tpu.memory_space<vmem_shared>> -> memref<128x64xf32, #tpu.memory_space<vmem_shared>>
      %dma_wait3A_58 = arith.constant 0 : i32
      %dma_wait3A_59 = tpu.memref_slice %arg16[%add3A_34, %dma_wait3A_58] : memref<10240x64xf32, #tpu.memory_space<vmem_shared>> -> memref<128x64xf32, #tpu.memory_space<vmem_shared>>
      tpu.wait_dma2 semaphore(%run_scoped3A_53 : memref<!tpu.dma_semaphore, #tpu.memory_space<semaphore_mem>>) src(%dma_wait3A_59 : memref<128x64xf32, #tpu.memory_space<vmem_shared>>) dst(%arg8 : memref<128x64xf32, #tpu.memory_space<vmem>>)
      tpu.yield
    }) : () -> ()
    %add3A_35 = arith.constant 0 : i32
    %add3A_36 = arith.addi %mul3A_0, %add3A_35 : i32
    "tpu.region"() ({
      %run_scoped3A_53 = tpu.sem_alloc : memref<!tpu.dma_semaphore, #tpu.memory_space<semaphore_mem>>
      %dma_start3A = arith.constant 0 : i32
      %dma_start3A_54 = tpu.memref_slice %arg5[%arg0, %add3A_36, %dma_start3A] : memref<2x10240x64xf32, #tpu.memory_space<hbm>> -> memref<1x128x64xf32, #tpu.memory_space<hbm>>
      %dma_start3A_55 = tpu.memref_squeeze %dma_start3A_54 : memref<1x128x64xf32, #tpu.memory_space<hbm>> -> memref<128x64xf32, #tpu.memory_space<hbm>>
      %dma_start3A_56 = arith.constant 0 : i32
      %dma_start3A_57 = tpu.memref_slice %arg5[%arg0, %add3A_36, %dma_start3A_56] : memref<2x10240x64xf32, #tpu.memory_space<hbm>> -> memref<1x128x64xf32, #tpu.memory_space<hbm>>
      %dma_start3A_58 = tpu.memref_squeeze %dma_start3A_57 : memref<1x128x64xf32, #tpu.memory_space<hbm>> -> memref<128x64xf32, #tpu.memory_space<hbm>>
      tpu.enqueue_dma source(%arg8 : memref<128x64xf32, #tpu.memory_space<vmem>>) target(%dma_start3A_58 : memref<128x64xf32, #tpu.memory_space<hbm>>) target_semaphore(%run_scoped3A_53 : memref<!tpu.dma_semaphore, #tpu.memory_space<semaphore_mem>>)
      %dma_wait3A = arith.constant 0 : i32
      %dma_wait3A_59 = tpu.memref_slice %arg5[%arg0, %add3A_36, %dma_wait3A] : memref<2x10240x64xf32, #tpu.memory_space<hbm>> -> memref<1x128x64xf32, #tpu.memory_space<hbm>>
      %dma_wait3A_60 = tpu.memref_squeeze %dma_wait3A_59 : memref<1x128x64xf32, #tpu.memory_space<hbm>> -> memref<128x64xf32, #tpu.memory_space<hbm>>
      %dma_wait3A_61 = arith.constant 0 : i32
      %dma_wait3A_62 = tpu.memref_slice %arg5[%arg0, %add3A_36, %dma_wait3A_61] : memref<2x10240x64xf32, #tpu.memory_space<hbm>> -> memref<1x128x64xf32, #tpu.memory_space<hbm>>
      %dma_wait3A_63 = tpu.memref_squeeze %dma_wait3A_62 : memref<1x128x64xf32, #tpu.memory_space<hbm>> -> memref<128x64xf32, #tpu.memory_space<hbm>>
      tpu.wait_dma2 semaphore(%run_scoped3A_53 : memref<!tpu.dma_semaphore, #tpu.memory_space<semaphore_mem>>) src(%arg8 : memref<128x64xf32, #tpu.memory_space<vmem>>) dst(%dma_wait3A_63 : memref<128x64xf32, #tpu.memory_space<hbm>>)
      tpu.yield
    }) : () -> ()
    %add3A_37 = arith.constant 128 : i32
    %add3A_38 = arith.addi %mul3A_0, %add3A_37 : i32
    "tpu.region"() ({
      %run_scoped3A_53 = tpu.sem_alloc : memref<!tpu.dma_semaphore, #tpu.memory_space<semaphore_mem>>
      %dma_start3A = arith.constant 0 : i32
      %dma_start3A_54 = tpu.memref_slice %arg16[%add3A_38, %dma_start3A] : memref<10240x64xf32, #tpu.memory_space<vmem_shared>> -> memref<128x64xf32, #tpu.memory_space<vmem_shared>>
      %dma_start3A_55 = arith.constant 0 : i32
      %dma_start3A_56 = tpu.memref_slice %arg16[%add3A_38, %dma_start3A_55] : memref<10240x64xf32, #tpu.memory_space<vmem_shared>> -> memref<128x64xf32, #tpu.memory_space<vmem_shared>>
      tpu.enqueue_dma source(%dma_start3A_56 : memref<128x64xf32, #tpu.memory_space<vmem_shared>>) target(%arg9 : memref<128x64xf32, #tpu.memory_space<vmem>>) target_semaphore(%run_scoped3A_53 : memref<!tpu.dma_semaphore, #tpu.memory_space<semaphore_mem>>)
      %dma_wait3A = arith.constant 0 : i32
      %dma_wait3A_57 = tpu.memref_slice %arg16[%add3A_38, %dma_wait3A] : memref<10240x64xf32, #tpu.memory_space<vmem_shared>> -> memref<128x64xf32, #tpu.memory_space<vmem_shared>>
      %dma_wait3A_58 = arith.constant 0 : i32
      %dma_wait3A_59 = tpu.memref_slice %arg16[%add3A_38, %dma_wait3A_58] : memref<10240x64xf32, #tpu.memory_space<vmem_shared>> -> memref<128x64xf32, #tpu.memory_space<vmem_shared>>
      tpu.wait_dma2 semaphore(%run_scoped3A_53 : memref<!tpu.dma_semaphore, #tpu.memory_space<semaphore_mem>>) src(%dma_wait3A_59 : memref<128x64xf32, #tpu.memory_space<vmem_shared>>) dst(%arg9 : memref<128x64xf32, #tpu.memory_space<vmem>>)
      tpu.yield
    }) : () -> ()
    %add3A_39 = arith.constant 128 : i32
    %add3A_40 = arith.addi %mul3A_0, %add3A_39 : i32
    "tpu.region"() ({
      %run_scoped3A_53 = tpu.sem_alloc : memref<!tpu.dma_semaphore, #tpu.memory_space<semaphore_mem>>
      %dma_start3A = arith.constant 0 : i32
      %dma_start3A_54 = tpu.memref_slice %arg5[%arg0, %add3A_40, %dma_start3A] : memref<2x10240x64xf32, #tpu.memory_space<hbm>> -> memref<1x128x64xf32, #tpu.memory_space<hbm>>
      %dma_start3A_55 = tpu.memref_squeeze %dma_start3A_54 : memref<1x128x64xf32, #tpu.memory_space<hbm>> -> memref<128x64xf32, #tpu.memory_space<hbm>>
      %dma_start3A_56 = arith.constant 0 : i32
      %dma_start3A_57 = tpu.memref_slice %arg5[%arg0, %add3A_40, %dma_start3A_56] : memref<2x10240x64xf32, #tpu.memory_space<hbm>> -> memref<1x128x64xf32, #tpu.memory_space<hbm>>
      %dma_start3A_58 = tpu.memref_squeeze %dma_start3A_57 : memref<1x128x64xf32, #tpu.memory_space<hbm>> -> memref<128x64xf32, #tpu.memory_space<hbm>>
      tpu.enqueue_dma source(%arg9 : memref<128x64xf32, #tpu.memory_space<vmem>>) target(%dma_start3A_58 : memref<128x64xf32, #tpu.memory_space<hbm>>) target_semaphore(%run_scoped3A_53 : memref<!tpu.dma_semaphore, #tpu.memory_space<semaphore_mem>>)
      %dma_wait3A = arith.constant 0 : i32
      %dma_wait3A_59 = tpu.memref_slice %arg5[%arg0, %add3A_40, %dma_wait3A] : memref<2x10240x64xf32, #tpu.memory_space<hbm>> -> memref<1x128x64xf32, #tpu.memory_space<hbm>>
      %dma_wait3A_60 = tpu.memref_squeeze %dma_wait3A_59 : memref<1x128x64xf32, #tpu.memory_space<hbm>> -> memref<128x64xf32, #tpu.memory_space<hbm>>
      %dma_wait3A_61 = arith.constant 0 : i32
      %dma_wait3A_62 = tpu.memref_slice %arg5[%arg0, %add3A_40, %dma_wait3A_61] : memref<2x10240x64xf32, #tpu.memory_space<hbm>> -> memref<1x128x64xf32, #tpu.memory_space<hbm>>
      %dma_wait3A_63 = tpu.memref_squeeze %dma_wait3A_62 : memref<1x128x64xf32, #tpu.memory_space<hbm>> -> memref<128x64xf32, #tpu.memory_space<hbm>>
      tpu.wait_dma2 semaphore(%run_scoped3A_53 : memref<!tpu.dma_semaphore, #tpu.memory_space<semaphore_mem>>) src(%arg9 : memref<128x64xf32, #tpu.memory_space<vmem>>) dst(%dma_wait3A_63 : memref<128x64xf32, #tpu.memory_space<hbm>>)
      tpu.yield
    }) : () -> ()
    %add3A_41 = arith.constant 256 : i32
    %add3A_42 = arith.addi %mul3A_0, %add3A_41 : i32
    "tpu.region"() ({
      %run_scoped3A_53 = tpu.sem_alloc : memref<!tpu.dma_semaphore, #tpu.memory_space<semaphore_mem>>
      %dma_start3A = arith.constant 0 : i32
      %dma_start3A_54 = tpu.memref_slice %arg16[%add3A_42, %dma_start3A] : memref<10240x64xf32, #tpu.memory_space<vmem_shared>> -> memref<128x64xf32, #tpu.memory_space<vmem_shared>>
      %dma_start3A_55 = arith.constant 0 : i32
      %dma_start3A_56 = tpu.memref_slice %arg16[%add3A_42, %dma_start3A_55] : memref<10240x64xf32, #tpu.memory_space<vmem_shared>> -> memref<128x64xf32, #tpu.memory_space<vmem_shared>>
      tpu.enqueue_dma source(%dma_start3A_56 : memref<128x64xf32, #tpu.memory_space<vmem_shared>>) target(%arg10 : memref<128x64xf32, #tpu.memory_space<vmem>>) target_semaphore(%run_scoped3A_53 : memref<!tpu.dma_semaphore, #tpu.memory_space<semaphore_mem>>)
      %dma_wait3A = arith.constant 0 : i32
      %dma_wait3A_57 = tpu.memref_slice %arg16[%add3A_42, %dma_wait3A] : memref<10240x64xf32, #tpu.memory_space<vmem_shared>> -> memref<128x64xf32, #tpu.memory_space<vmem_shared>>
      %dma_wait3A_58 = arith.constant 0 : i32
      %dma_wait3A_59 = tpu.memref_slice %arg16[%add3A_42, %dma_wait3A_58] : memref<10240x64xf32, #tpu.memory_space<vmem_shared>> -> memref<128x64xf32, #tpu.memory_space<vmem_shared>>
      tpu.wait_dma2 semaphore(%run_scoped3A_53 : memref<!tpu.dma_semaphore, #tpu.memory_space<semaphore_mem>>) src(%dma_wait3A_59 : memref<128x64xf32, #tpu.memory_space<vmem_shared>>) dst(%arg10 : memref<128x64xf32, #tpu.memory_space<vmem>>)
      tpu.yield
    }) : () -> ()
    %add3A_43 = arith.constant 256 : i32
    %add3A_44 = arith.addi %mul3A_0, %add3A_43 : i32
    "tpu.region"() ({
      %run_scoped3A_53 = tpu.sem_alloc : memref<!tpu.dma_semaphore, #tpu.memory_space<semaphore_mem>>
      %dma_start3A = arith.constant 0 : i32
      %dma_start3A_54 = tpu.memref_slice %arg5[%arg0, %add3A_44, %dma_start3A] : memref<2x10240x64xf32, #tpu.memory_space<hbm>> -> memref<1x128x64xf32, #tpu.memory_space<hbm>>
      %dma_start3A_55 = tpu.memref_squeeze %dma_start3A_54 : memref<1x128x64xf32, #tpu.memory_space<hbm>> -> memref<128x64xf32, #tpu.memory_space<hbm>>
      %dma_start3A_56 = arith.constant 0 : i32
      %dma_start3A_57 = tpu.memref_slice %arg5[%arg0, %add3A_44, %dma_start3A_56] : memref<2x10240x64xf32, #tpu.memory_space<hbm>> -> memref<1x128x64xf32, #tpu.memory_space<hbm>>
      %dma_start3A_58 = tpu.memref_squeeze %dma_start3A_57 : memref<1x128x64xf32, #tpu.memory_space<hbm>> -> memref<128x64xf32, #tpu.memory_space<hbm>>
      tpu.enqueue_dma source(%arg10 : memref<128x64xf32, #tpu.memory_space<vmem>>) target(%dma_start3A_58 : memref<128x64xf32, #tpu.memory_space<hbm>>) target_semaphore(%run_scoped3A_53 : memref<!tpu.dma_semaphore, #tpu.memory_space<semaphore_mem>>)
      %dma_wait3A = arith.constant 0 : i32
      %dma_wait3A_59 = tpu.memref_slice %arg5[%arg0, %add3A_44, %dma_wait3A] : memref<2x10240x64xf32, #tpu.memory_space<hbm>> -> memref<1x128x64xf32, #tpu.memory_space<hbm>>
      %dma_wait3A_60 = tpu.memref_squeeze %dma_wait3A_59 : memref<1x128x64xf32, #tpu.memory_space<hbm>> -> memref<128x64xf32, #tpu.memory_space<hbm>>
      %dma_wait3A_61 = arith.constant 0 : i32
      %dma_wait3A_62 = tpu.memref_slice %arg5[%arg0, %add3A_44, %dma_wait3A_61] : memref<2x10240x64xf32, #tpu.memory_space<hbm>> -> memref<1x128x64xf32, #tpu.memory_space<hbm>>
      %dma_wait3A_63 = tpu.memref_squeeze %dma_wait3A_62 : memref<1x128x64xf32, #tpu.memory_space<hbm>> -> memref<128x64xf32, #tpu.memory_space<hbm>>
      tpu.wait_dma2 semaphore(%run_scoped3A_53 : memref<!tpu.dma_semaphore, #tpu.memory_space<semaphore_mem>>) src(%arg10 : memref<128x64xf32, #tpu.memory_space<vmem>>) dst(%dma_wait3A_63 : memref<128x64xf32, #tpu.memory_space<hbm>>)
      tpu.yield
    }) : () -> ()
    %add3A_45 = arith.constant 384 : i32
    %add3A_46 = arith.addi %mul3A_0, %add3A_45 : i32
    "tpu.region"() ({
      %run_scoped3A_53 = tpu.sem_alloc : memref<!tpu.dma_semaphore, #tpu.memory_space<semaphore_mem>>
      %dma_start3A = arith.constant 0 : i32
      %dma_start3A_54 = tpu.memref_slice %arg16[%add3A_46, %dma_start3A] : memref<10240x64xf32, #tpu.memory_space<vmem_shared>> -> memref<128x64xf32, #tpu.memory_space<vmem_shared>>
      %dma_start3A_55 = arith.constant 0 : i32
      %dma_start3A_56 = tpu.memref_slice %arg16[%add3A_46, %dma_start3A_55] : memref<10240x64xf32, #tpu.memory_space<vmem_shared>> -> memref<128x64xf32, #tpu.memory_space<vmem_shared>>
      tpu.enqueue_dma source(%dma_start3A_56 : memref<128x64xf32, #tpu.memory_space<vmem_shared>>) target(%arg11 : memref<128x64xf32, #tpu.memory_space<vmem>>) target_semaphore(%run_scoped3A_53 : memref<!tpu.dma_semaphore, #tpu.memory_space<semaphore_mem>>)
      %dma_wait3A = arith.constant 0 : i32
      %dma_wait3A_57 = tpu.memref_slice %arg16[%add3A_46, %dma_wait3A] : memref<10240x64xf32, #tpu.memory_space<vmem_shared>> -> memref<128x64xf32, #tpu.memory_space<vmem_shared>>
      %dma_wait3A_58 = arith.constant 0 : i32
      %dma_wait3A_59 = tpu.memref_slice %arg16[%add3A_46, %dma_wait3A_58] : memref<10240x64xf32, #tpu.memory_space<vmem_shared>> -> memref<128x64xf32, #tpu.memory_space<vmem_shared>>
      tpu.wait_dma2 semaphore(%run_scoped3A_53 : memref<!tpu.dma_semaphore, #tpu.memory_space<semaphore_mem>>) src(%dma_wait3A_59 : memref<128x64xf32, #tpu.memory_space<vmem_shared>>) dst(%arg11 : memref<128x64xf32, #tpu.memory_space<vmem>>)
      tpu.yield
    }) : () -> ()
    %add3A_47 = arith.constant 384 : i32
    %add3A_48 = arith.addi %mul3A_0, %add3A_47 : i32
    "tpu.region"() ({
      %run_scoped3A_53 = tpu.sem_alloc : memref<!tpu.dma_semaphore, #tpu.memory_space<semaphore_mem>>
      %dma_start3A = arith.constant 0 : i32
      %dma_start3A_54 = tpu.memref_slice %arg5[%arg0, %add3A_48, %dma_start3A] : memref<2x10240x64xf32, #tpu.memory_space<hbm>> -> memref<1x128x64xf32, #tpu.memory_space<hbm>>
      %dma_start3A_55 = tpu.memref_squeeze %dma_start3A_54 : memref<1x128x64xf32, #tpu.memory_space<hbm>> -> memref<128x64xf32, #tpu.memory_space<hbm>>
      %dma_start3A_56 = arith.constant 0 : i32
      %dma_start3A_57 = tpu.memref_slice %arg5[%arg0, %add3A_48, %dma_start3A_56] : memref<2x10240x64xf32, #tpu.memory_space<hbm>> -> memref<1x128x64xf32, #tpu.memory_space<hbm>>
      %dma_start3A_58 = tpu.memref_squeeze %dma_start3A_57 : memref<1x128x64xf32, #tpu.memory_space<hbm>> -> memref<128x64xf32, #tpu.memory_space<hbm>>
      tpu.enqueue_dma source(%arg11 : memref<128x64xf32, #tpu.memory_space<vmem>>) target(%dma_start3A_58 : memref<128x64xf32, #tpu.memory_space<hbm>>) target_semaphore(%run_scoped3A_53 : memref<!tpu.dma_semaphore, #tpu.memory_space<semaphore_mem>>)
      %dma_wait3A = arith.constant 0 : i32
      %dma_wait3A_59 = tpu.memref_slice %arg5[%arg0, %add3A_48, %dma_wait3A] : memref<2x10240x64xf32, #tpu.memory_space<hbm>> -> memref<1x128x64xf32, #tpu.memory_space<hbm>>
      %dma_wait3A_60 = tpu.memref_squeeze %dma_wait3A_59 : memref<1x128x64xf32, #tpu.memory_space<hbm>> -> memref<128x64xf32, #tpu.memory_space<hbm>>
      %dma_wait3A_61 = arith.constant 0 : i32
      %dma_wait3A_62 = tpu.memref_slice %arg5[%arg0, %add3A_48, %dma_wait3A_61] : memref<2x10240x64xf32, #tpu.memory_space<hbm>> -> memref<1x128x64xf32, #tpu.memory_space<hbm>>
      %dma_wait3A_63 = tpu.memref_squeeze %dma_wait3A_62 : memref<1x128x64xf32, #tpu.memory_space<hbm>> -> memref<128x64xf32, #tpu.memory_space<hbm>>
      tpu.wait_dma2 semaphore(%run_scoped3A_53 : memref<!tpu.dma_semaphore, #tpu.memory_space<semaphore_mem>>) src(%arg11 : memref<128x64xf32, #tpu.memory_space<vmem>>) dst(%dma_wait3A_63 : memref<128x64xf32, #tpu.memory_space<hbm>>)
      tpu.yield
    }) : () -> ()
    %add3A_49 = arith.constant 512 : i32
    %add3A_50 = arith.addi %mul3A_0, %add3A_49 : i32
    "tpu.region"() ({
      %run_scoped3A_53 = tpu.sem_alloc : memref<!tpu.dma_semaphore, #tpu.memory_space<semaphore_mem>>
      %dma_start3A = arith.constant 0 : i32
      %dma_start3A_54 = tpu.memref_slice %arg16[%add3A_50, %dma_start3A] : memref<10240x64xf32, #tpu.memory_space<vmem_shared>> -> memref<128x64xf32, #tpu.memory_space<vmem_shared>>
      %dma_start3A_55 = arith.constant 0 : i32
      %dma_start3A_56 = tpu.memref_slice %arg16[%add3A_50, %dma_start3A_55] : memref<10240x64xf32, #tpu.memory_space<vmem_shared>> -> memref<128x64xf32, #tpu.memory_space<vmem_shared>>
      tpu.enqueue_dma source(%dma_start3A_56 : memref<128x64xf32, #tpu.memory_space<vmem_shared>>) target(%arg8 : memref<128x64xf32, #tpu.memory_space<vmem>>) target_semaphore(%run_scoped3A_53 : memref<!tpu.dma_semaphore, #tpu.memory_space<semaphore_mem>>)
      %dma_wait3A = arith.constant 0 : i32
      %dma_wait3A_57 = tpu.memref_slice %arg16[%add3A_50, %dma_wait3A] : memref<10240x64xf32, #tpu.memory_space<vmem_shared>> -> memref<128x64xf32, #tpu.memory_space<vmem_shared>>
      %dma_wait3A_58 = arith.constant 0 : i32
      %dma_wait3A_59 = tpu.memref_slice %arg16[%add3A_50, %dma_wait3A_58] : memref<10240x64xf32, #tpu.memory_space<vmem_shared>> -> memref<128x64xf32, #tpu.memory_space<vmem_shared>>
      tpu.wait_dma2 semaphore(%run_scoped3A_53 : memref<!tpu.dma_semaphore, #tpu.memory_space<semaphore_mem>>) src(%dma_wait3A_59 : memref<128x64xf32, #tpu.memory_space<vmem_shared>>) dst(%arg8 : memref<128x64xf32, #tpu.memory_space<vmem>>)
      tpu.yield
    }) : () -> ()
    %add3A_51 = arith.constant 512 : i32
    %add3A_52 = arith.addi %mul3A_0, %add3A_51 : i32
    "tpu.region"() ({
      %run_scoped3A_53 = tpu.sem_alloc : memref<!tpu.dma_semaphore, #tpu.memory_space<semaphore_mem>>
      %dma_start3A = arith.constant 0 : i32
      %dma_start3A_54 = tpu.memref_slice %arg5[%arg0, %add3A_52, %dma_start3A] : memref<2x10240x64xf32, #tpu.memory_space<hbm>> -> memref<1x128x64xf32, #tpu.memory_space<hbm>>
      %dma_start3A_55 = tpu.memref_squeeze %dma_start3A_54 : memref<1x128x64xf32, #tpu.memory_space<hbm>> -> memref<128x64xf32, #tpu.memory_space<hbm>>
      %dma_start3A_56 = arith.constant 0 : i32
      %dma_start3A_57 = tpu.memref_slice %arg5[%arg0, %add3A_52, %dma_start3A_56] : memref<2x10240x64xf32, #tpu.memory_space<hbm>> -> memref<1x128x64xf32, #tpu.memory_space<hbm>>
      %dma_start3A_58 = tpu.memref_squeeze %dma_start3A_57 : memref<1x128x64xf32, #tpu.memory_space<hbm>> -> memref<128x64xf32, #tpu.memory_space<hbm>>
      tpu.enqueue_dma source(%arg8 : memref<128x64xf32, #tpu.memory_space<vmem>>) target(%dma_start3A_58 : memref<128x64xf32, #tpu.memory_space<hbm>>) target_semaphore(%run_scoped3A_53 : memref<!tpu.dma_semaphore, #tpu.memory_space<semaphore_mem>>)
      %dma_wait3A = arith.constant 0 : i32
      %dma_wait3A_59 = tpu.memref_slice %arg5[%arg0, %add3A_52, %dma_wait3A] : memref<2x10240x64xf32, #tpu.memory_space<hbm>> -> memref<1x128x64xf32, #tpu.memory_space<hbm>>
      %dma_wait3A_60 = tpu.memref_squeeze %dma_wait3A_59 : memref<1x128x64xf32, #tpu.memory_space<hbm>> -> memref<128x64xf32, #tpu.memory_space<hbm>>
      %dma_wait3A_61 = arith.constant 0 : i32
      %dma_wait3A_62 = tpu.memref_slice %arg5[%arg0, %add3A_52, %dma_wait3A_61] : memref<2x10240x64xf32, #tpu.memory_space<hbm>> -> memref<1x128x64xf32, #tpu.memory_space<hbm>>
      %dma_wait3A_63 = tpu.memref_squeeze %dma_wait3A_62 : memref<1x128x64xf32, #tpu.memory_space<hbm>> -> memref<128x64xf32, #tpu.memory_space<hbm>>
      tpu.wait_dma2 semaphore(%run_scoped3A_53 : memref<!tpu.dma_semaphore, #tpu.memory_space<semaphore_mem>>) src(%arg8 : memref<128x64xf32, #tpu.memory_space<vmem>>) dst(%dma_wait3A_63 : memref<128x64xf32, #tpu.memory_space<hbm>>)
      tpu.yield
    }) : () -> ()
    return
  }
}

module attributes {stable_mosaic.version = 14 : i64} {
  func.func @_tc_matmul_body(%arg0: memref<10000x128xf32, #tpu.memory_space<vmem>>, %arg1: memref<128x128xf32, #tpu.memory_space<vmem>>, %arg2: memref<10000x128xf32, #tpu.memory_space<vmem>>) attributes {dimension_semantics = [], scalar_prefetch = 0 : i64, scratch_operands = 0 : i64, tpu.core_type = #tpu.core_type<tc>} {
    %get3A = arith.constant 0 : index
    %get3A_0 = arith.constant 0 : index
    %get3A_1 = vector.load %arg0[%get3A, %get3A_0] : memref<10000x128xf32, #tpu.memory_space<vmem>>, vector<10000x128xf32>
    %get3A_2 = arith.constant 0 : index
    %get3A_3 = arith.constant 0 : index
    %get3A_4 = vector.load %arg1[%get3A_2, %get3A_3] : memref<128x128xf32, #tpu.memory_space<vmem>>, vector<128x128xf32>
    %dot_general3A = arith.constant dense<0.000000e+00> : vector<10000x128xf32>
    %dot_general3A_5 = tpu.matmul %get3A_1, %get3A_4, %dot_general3A {dimension_numbers = #tpu.dot_dimension_numbers<[1], [0], [0], [1], [0, 0, 1, 1], [], []>, transpose_lhs_hint = false} : vector<10000x128xf32>, vector<128x128xf32>, vector<10000x128xf32> -> vector<10000x128xf32>
    %swap3A = arith.constant 0 : index
    %swap3A_6 = arith.constant 0 : index
    %swap3A_7 = vector.load %arg2[%swap3A, %swap3A_6] : memref<10000x128xf32, #tpu.memory_space<vmem>>, vector<10000x128xf32>
    tpu.vector_store %arg2[%swap3A, %swap3A_6], %dot_general3A_5 {strides = array<i32>} : memref<10000x128xf32, #tpu.memory_space<vmem>>, vector<10000x128xf32>,
    return
  }
}

module attributes {stable_mosaic.version = 14 : i64} {
  func.func @_tc_transform_body(%arg0: memref<10000x128xf32, #tpu.memory_space<vmem>>, %arg1: memref<10000x1xf32, #tpu.memory_space<vmem>>, %arg2: memref<10000x64xf32, #tpu.memory_space<vmem>>, %arg3: memref<10000x64xf32, #tpu.memory_space<vmem>>) attributes {dimension_semantics = [], scalar_prefetch = 0 : i64, scratch_operands = 0 : i64, tpu.core_type = #tpu.core_type<tc>} {
    %get3A = arith.constant 0 : index
    %get3A_0 = arith.constant 0 : index
    %get3A_1 = vector.load %arg1[%get3A, %get3A_0] : memref<10000x1xf32, #tpu.memory_space<vmem>>, vector<10000x1xf32>
    %add3A = arith.constant 1.000000e+00 : f32
    %add3A_2 = vector.broadcast %add3A : f32 to vector<10000x1xf32>
    %add3A_3 = arith.addf %get3A_1, %add3A_2 : vector<10000x1xf32>
    %rsqrt3A = math.rsqrt %add3A_3 : vector<10000x1xf32>
    %get3A_4 = arith.constant 0 : index
    %get3A_5 = arith.constant 0 : index
    %get3A_6 = vector.load %arg0[%get3A_4, %get3A_5] : memref<10000x128xf32, #tpu.memory_space<vmem>>, vector<10000x128xf32>
    %mul3A = vector.broadcast %rsqrt3A : vector<10000x1xf32> to vector<10000x128xf32>
    %mul3A_7 = arith.mulf %get3A_6, %mul3A : vector<10000x128xf32>
    %slice3A = vector.extract_strided_slice %mul3A_7 {offsets = [0, 0], sizes = [10000, 64], strides = [1, 1]} : vector<10000x128xf32> to vector<10000x64xf32>
    %swap3A = arith.constant 0 : index
    %swap3A_8 = arith.constant 0 : index
    %swap3A_9 = vector.load %arg2[%swap3A, %swap3A_8] : memref<10000x64xf32, #tpu.memory_space<vmem>>, vector<10000x64xf32>
    tpu.vector_store %arg2[%swap3A, %swap3A_8], %slice3A {strides = array<i32>} : memref<10000x64xf32, #tpu.memory_space<vmem>>, vector<10000x64xf32>,
    %slice3A_10 = vector.extract_strided_slice %mul3A_7 {offsets = [0, 64], sizes = [10000, 64], strides = [1, 1]} : vector<10000x128xf32> to vector<10000x64xf32>
    %swap3A_11 = arith.constant 0 : index
    %swap3A_12 = arith.constant 0 : index
    %swap3A_13 = vector.load %arg3[%swap3A_11, %swap3A_12] : memref<10000x64xf32, #tpu.memory_space<vmem>>, vector<10000x64xf32>
    tpu.vector_store %arg3[%swap3A_11, %swap3A_12], %slice3A_10 {strides = array<i32>} : memref<10000x64xf32, #tpu.memory_space<vmem>>, vector<10000x64xf32>,
    return
  }
}

module attributes {stable_mosaic.version = 14 : i64} {
  func.func @_tc_bn_body(%arg0: memref<2x10240x64xf32, #tpu.memory_space<vmem>>, %arg1: memref<10000x64xf32, #tpu.memory_space<vmem>>, %arg2: memref<10000x64xf32, #tpu.memory_space<vmem>>, %arg3: memref<10000x1xf32, #tpu.memory_space<vmem>>, %arg4: memref<1x128xf32, #tpu.memory_space<vmem>>, %arg5: memref<1x128xf32, #tpu.memory_space<vmem>>, %arg6: memref<1x128xf32, #tpu.memory_space<vmem>>, %arg7: memref<10000x128xf32, #tpu.memory_space<vmem>>) attributes {dimension_semantics = [], scalar_prefetch = 0 : i64, scratch_operands = 0 : i64, tpu.core_type = #tpu.core_type<tc>} {
    %get3A = arith.constant 0 : index
    %get3A_0 = arith.constant 0 : index
    %get3A_1 = vector.load %arg3[%get3A, %get3A_0] : memref<10000x1xf32, #tpu.memory_space<vmem>>, vector<10000x1xf32>
    %add3A = arith.constant 1.000000e+00 : f32
    %add3A_2 = vector.broadcast %add3A : f32 to vector<10000x1xf32>
    %add3A_3 = arith.addf %get3A_1, %add3A_2 : vector<10000x1xf32>
    %rsqrt3A = math.rsqrt %add3A_3 : vector<10000x1xf32>
    %get3A_4 = arith.constant 0 : index
    %get3A_5 = arith.constant 0 : index
    %get3A_6 = arith.constant 0 : index
    %get3A_7 = vector.load %arg0[%get3A_4, %get3A_5, %get3A_6] : memref<2x10240x64xf32, #tpu.memory_space<vmem>>, vector<1x10000x64xf32>
    %get3A_8 = vector.shape_cast %get3A_7 : vector<1x10000x64xf32> to vector<10000x64xf32>
    %get3A_9 = arith.constant 0 : index
    %get3A_10 = arith.constant 0 : index
    %get3A_11 = vector.load %arg1[%get3A_9, %get3A_10] : memref<10000x64xf32, #tpu.memory_space<vmem>>, vector<10000x64xf32>
    %add3A_12 = arith.addf %get3A_8, %get3A_11 : vector<10000x64xf32>
    %get3A_13 = arith.constant 1 : index
    %get3A_14 = arith.constant 0 : index
    %get3A_15 = arith.constant 0 : index
    %get3A_16 = vector.load %arg0[%get3A_13, %get3A_14, %get3A_15] : memref<2x10240x64xf32, #tpu.memory_space<vmem>>, vector<1x10000x64xf32>
    %get3A_17 = vector.shape_cast %get3A_16 : vector<1x10000x64xf32> to vector<10000x64xf32>
    %get3A_18 = arith.constant 0 : index
    %get3A_19 = arith.constant 0 : index
    %get3A_20 = vector.load %arg2[%get3A_18, %get3A_19] : memref<10000x64xf32, #tpu.memory_space<vmem>>, vector<10000x64xf32>
    %add3A_21 = arith.addf %get3A_17, %get3A_20 : vector<10000x64xf32>
    %concatenate3A = tpu.concatenate %add3A_12, %add3A_21 in 1 : vector<10000x64xf32>, vector<10000x64xf32> -> vector<10000x128xf32>
    %mul3A = vector.broadcast %rsqrt3A : vector<10000x1xf32> to vector<10000x128xf32>
    %mul3A_22 = arith.mulf %mul3A, %concatenate3A : vector<10000x128xf32>
    %get3A_23 = arith.constant 0 : index
    %get3A_24 = arith.constant 0 : index
    %get3A_25 = vector.load %arg4[%get3A_23, %get3A_24] : memref<1x128xf32, #tpu.memory_space<vmem>>, vector<1x128xf32>
    %add3A_26 = vector.broadcast %get3A_25 : vector<1x128xf32> to vector<10000x128xf32>
    %add3A_27 = arith.addf %mul3A_22, %add3A_26 : vector<10000x128xf32>
    %reduce_sum3A = arith.constant dense<0.000000e+00> : vector<128xf32>
    %reduce_sum3A_28 = vector.multi_reduction <add>, %add3A_27, %reduce_sum3A [0] : vector<10000x128xf32> to vector<128xf32>
    %broadcast_in_dim3A = vector.shape_cast %reduce_sum3A_28 : vector<128xf32> to vector<1x128xf32>
    %div3A = arith.constant 1.000000e+04 : f32
    %div3A_29 = vector.broadcast %div3A : f32 to vector<1x128xf32>
    %div3A_30 = arith.divf %broadcast_in_dim3A, %div3A_29 : vector<1x128xf32>
    %sub3A = vector.broadcast %div3A_30 : vector<1x128xf32> to vector<10000x128xf32>
    %sub3A_31 = arith.subf %add3A_27, %sub3A : vector<10000x128xf32>
    %mul3A_32 = arith.mulf %sub3A_31, %sub3A_31 : vector<10000x128xf32>
    %reduce_sum3A_33 = arith.constant dense<0.000000e+00> : vector<128xf32>
    %reduce_sum3A_34 = vector.multi_reduction <add>, %mul3A_32, %reduce_sum3A_33 [0] : vector<10000x128xf32> to vector<128xf32>
    %broadcast_in_dim3A_35 = vector.shape_cast %reduce_sum3A_34 : vector<128xf32> to vector<1x128xf32>
    %div3A_36 = arith.constant 1.000000e+04 : f32
    %div3A_37 = vector.broadcast %div3A_36 : f32 to vector<1x128xf32>
    %div3A_38 = arith.divf %broadcast_in_dim3A_35, %div3A_37 : vector<1x128xf32>
    %add3A_39 = arith.constant 9.99999974E-6 : f32
    %add3A_40 = vector.broadcast %add3A_39 : f32 to vector<1x128xf32>
    %add3A_41 = arith.addf %div3A_38, %add3A_40 : vector<1x128xf32>
    %rsqrt3A_42 = math.rsqrt %add3A_41 : vector<1x128xf32>
    %mul3A_43 = vector.broadcast %rsqrt3A_42 : vector<1x128xf32> to vector<10000x128xf32>
    %mul3A_44 = arith.mulf %sub3A_31, %mul3A_43 : vector<10000x128xf32>
    %get3A_45 = arith.constant 0 : index
    %get3A_46 = arith.constant 0 : index
    %get3A_47 = vector.load %arg5[%get3A_45, %get3A_46] : memref<1x128xf32, #tpu.memory_space<vmem>>, vector<1x128xf32>
    %mul3A_48 = vector.broadcast %get3A_47 : vector<1x128xf32> to vector<10000x128xf32>
    %mul3A_49 = arith.mulf %mul3A_44, %mul3A_48 : vector<10000x128xf32>
    %get3A_50 = arith.constant 0 : index
    %get3A_51 = arith.constant 0 : index
    %get3A_52 = vector.load %arg6[%get3A_50, %get3A_51] : memref<1x128xf32, #tpu.memory_space<vmem>>, vector<1x128xf32>
    %add3A_53 = vector.broadcast %get3A_52 : vector<1x128xf32> to vector<10000x128xf32>
    %add3A_54 = arith.addf %mul3A_49, %add3A_53 : vector<10000x128xf32>
    %max3A = arith.constant 0.000000e+00 : f32
    %max3A_55 = vector.broadcast %max3A : f32 to vector<10000x128xf32>
    %max3A_56 = arith.maximumf %add3A_54, %max3A_55 : vector<10000x128xf32>
    %swap3A = arith.constant 0 : index
    %swap3A_57 = arith.constant 0 : index
    %swap3A_58 = vector.load %arg7[%swap3A, %swap3A_57] : memref<10000x128xf32, #tpu.memory_space<vmem>>, vector<10000x128xf32>
    tpu.vector_store %arg7[%swap3A, %swap3A_57], %max3A_56 {strides = array<i32>} : memref<10000x128xf32, #tpu.memory_space<vmem>>, vector<10000x128xf32>,
    return
  }
}

</mosaic_0001>

<sc_bundles>
// kernel: kernel.10.cloned.1.call-start
scs
__scs_entry_jumppad:
0x0: {  	(pc) =	sbr.rel $0x88, $3  }
0x1: {  	(tag) =	ssettag $0x0;
	lr =	simm.s32 $0x1  }
0x2: {  	[smem:$0x3F9B] =	sst lr;
	_ =	strace $0xD0000000  }
0x3: {  	_ = 	snop  }
0x4: {  	_ = 	snop  }
0x5: {  	_ = 	snop  }
0x6: {  	_ = 	snop  }
0x7: {  	_ = 	snop  }
__scs_overlays_trampoline_lowered:
0x8: {  	[smem:$0x3FAA] =	sst s0  }
0x9: {  	[smem:$0x3FAB] =	sst s1  }
0xa: {  	[smem:$0x3FAC] =	sst s2  }
0xb: {  	[smem:$0x3FAD] =	sst s3  }
0xc: {  	[smem:$0x3FAE] =	sst s4  }
0xd: {  	[smem:$0x3FAF] =	sst s5  }
0xe: {  	[smem:$0x3FB0] =	sst s6  }
0xf: {  	[smem:$0x3FB1] =	sst s7  }
0x10: {  	[smem:$0x3FB2] =	sst s8  }
0x11: {  	[smem:$0x3FB3] =	sst s9;
	s0 =	simm.s32 @!p0 $0x0  }
0x12: {  	s1 =	sld [smem:$0x3F99];
	s0 =	simm.s32 @p0 $0x1  }
0x13: {  	[smem:$0x3FB4] =	sst s0;
	s0 =	simm.s32 @!p1 $0x0  }
0x14: {  	s2 =	sld [smem:$0x3F98];
	s0 =	simm.s32 @p1 $0x1  }
0x15: {  	[smem:$0x3FB5] =	sst s0;
	s0 =	simm.s32 @!p2 $0x0  }
0x16: {  	s3 =	sld [smem:$0x3FDB];
	s0 =	simm.s32 @p2 $0x1  }
0x17: {  	s4 =	simm.s32 $0x1BF5;
	[smem:$0x3FB7] =	sst s0  }
0x18: {  	s0 =	sld [smem:$0x3F9A];
	_ =	swait.ge [sflag:s4], $0x0  }
0x19: {  	s7 =	sld [smem:$0x3F9B]  }
0x1a: {  	s8 =	sadd.s32 $0xFFFFE003, lr  }
0x1b: {  	s9 =	sadd.s32 $0xFFFFFEF7, lr;
	s5 =	simm.s32 $0xFFFFFFFF;
	p2 =	slt.u32 s8, $0xFFFFF086  }
0x1c: {  	p1 =	slt.u32 s9, $0xF7A;
	s5 =	simm.s32 @!p2 $0x0  }
0x1d: {  	s5 =	simm.s32 @p1 $0x1;
	p0 =	seq.s32 s7, s2  }
0x1e: {  	s7 =	smul.u32 @!p0 $0xF7A, s2;
	p2 =	seq.s32 @!p0 s5, $0x0  }
0x1f: {  	s9 =	smul.u32 $0xF7A, s1;
	s8 =	simm.s32 @!p0 $0x1BF5;
	p2 =	por !p2, p0  }
0x20: {  	[sflag:s8] =	ssyncset.s32 @!p0 $0xFFFFF086;
	s6 =	sadd.s32 @!p0 s3, s7;
	s7 =	simm.s32 @!p0 $0x108  }
0x21: {  	s3 =	sadd.s32 s3, s9;
	s6 =	sadd.s32 @!p0 $0x88, s6;
	s7 =	simm.s32 @p2 $0x1082  }
0x22: {  	[simem:s7], [sflag:s8] =	dma.local @!p0 [hbm:s6], $0xF7A  }
0x23: {  	s9 =	sor.u32 $0xD0000000, s2;
	s6 =	simm.s32 $0x108;
	_ =	swait.ge @!p0 [sflag:s8], $0x0  }
0x24: {  	s3 =	sadd.s32 $0x88, s3;
	s6 =	simm.s32 @!p1 $0x1082;
	[sflag:s4] =	ssyncset.s32 $0xFFFFF086  }
0x25: {  	[simem:s6], [sflag:s4] =	dma.local [hbm:s3], $0xF7A  }
0x26: {  	[smem:$0x3F9B] =	sst s1;
	(tag) =	ssettag s2;
	_ =	strace s9  }
0x27: {  	s1 =	sld [smem:$0x3FAB]  }
0x28: {  	s2 =	sld [smem:$0x3FAC]  }
0x29: {  	s4 =	sld [smem:$0x3FAE]  }
0x2a: {  	p0 =	seq.s32 s5, $0x0;
	s5 =	sld [smem:$0x3FAF]  }
0x2b: {  	s6 =	sld [smem:$0x3FB0]  }
0x2c: {  	s7 =	sld [smem:$0x3FB1]  }
0x2d: {  	s3 =	simm.s32 $0x108;
	s8 =	sld [smem:$0x3FB2]  }
0x2e: {  	s3 =	simm.s32 @!p0 $0x1082;
	s9 =	sld [smem:$0x3FB3]  }
0x2f: {  	lr =	sadd.s32 s0, s3;
	s0 =	sld [smem:$0x3FAA]  }
0x30: {  	s3 =	sld [smem:$0x3FAD]  }
0x31: {  	[smem:$0x3FB6] =	sst s10  }
0x32: {  	s10 =	sld [smem:$0x3FB4];
	_ =	sdelay $0x3  }
0x33: {  	p0 =	seq.s32 s10, $0x1;
	s10 =	sld [smem:$0x3FB6];
	_ =	sdelay $0x3  }
0x34: {  	[smem:$0x3FB6] =	sst s10  }
0x35: {  	s10 =	sld [smem:$0x3FB5];
	_ =	sdelay $0x3  }
0x36: {  	p1 =	seq.s32 s10, $0x1;
	s10 =	sld [smem:$0x3FB6];
	_ =	sdelay $0x3  }
0x37: {  	[smem:$0x3FB6] =	sst s10  }
0x38: {  	s10 =	sld [smem:$0x3FB7]  }
0x39: {  	_ = 	snop;
	(pc) =	sbr.ind lr, $3  }
0x3a: {  	_ = 	snop  }
0x3b: {  	_ = 	snop  }
0x3c: {  	p2 =	seq.s32 s10, $0x1;
	s10 =	sld [smem:$0x3FB6]  }
0x3d: {  	_ =	shalt  }
0x3e: {  	_ =	shalt  }
0x3f: {  	_ =	shalt  }
0x40: {  	_ =	shalt  }
0x41: {  	_ =	shalt  }
0x42: {  	_ =	shalt  }
0x43: {  	_ =	shalt  }
0x44: {  	_ =	shalt  }
0x45: {  	_ =	shalt  }
0x46: {  	_ =	shalt  }
0x47: {  	_ =	shalt  }
0x48: {  	_ =	shalt  }
0x49: {  	_ =	shalt  }
0x4a: {  	_ =	shalt  }
0x4b: {  	_ =	shalt  }
0x4c: {  	_ =	shalt  }
0x4d: {  	_ =	shalt  }
0x4e: {  	_ =	shalt  }
0x4f: {  	_ =	shalt  }
0x50: {  	_ =	shalt  }
0x51: {  	_ =	shalt  }
0x52: {  	_ =	shalt  }
0x53: {  	_ =	shalt  }
0x54: {  	_ =	shalt  }
0x55: {  	_ =	shalt  }
0x56: {  	_ =	shalt  }
0x57: {  	_ =	shalt  }
0x58: {  	_ =	shalt  }
0x59: {  	_ =	shalt  }
0x5a: {  	_ =	shalt  }
0x5b: {  	_ =	shalt  }
0x5c: {  	_ =	shalt  }
0x5d: {  	_ =	shalt  }
0x5e: {  	_ =	shalt  }
0x5f: {  	_ =	shalt  }
0x60: {  	_ =	shalt  }
0x61: {  	_ =	shalt  }
0x62: {  	_ =	shalt  }
0x63: {  	_ =	shalt  }
0x64: {  	_ =	shalt  }
0x65: {  	_ =	shalt  }
0x66: {  	_ =	shalt  }
0x67: {  	_ =	shalt  }
0x68: {  	_ =	shalt  }
0x69: {  	_ =	shalt  }
0x6a: {  	_ =	shalt  }
0x6b: {  	_ =	shalt  }
0x6c: {  	_ =	shalt  }
0x6d: {  	_ =	shalt  }
0x6e: {  	_ =	shalt  }
0x6f: {  	_ =	shalt  }
0x70: {  	_ =	shalt  }
0x71: {  	_ =	shalt  }
0x72: {  	_ =	shalt  }
0x73: {  	_ =	shalt  }
0x74: {  	_ =	shalt  }
0x75: {  	_ =	shalt  }
0x76: {  	_ =	shalt  }
0x77: {  	_ =	shalt  }
0x78: {  	_ =	shalt  }
0x79: {  	_ =	shalt  }
0x7a: {  	_ =	shalt  }
0x7b: {  	_ =	shalt  }
0x7c: {  	_ =	shalt  }
0x7d: {  	_ =	shalt  }
0x7e: {  	_ =	shalt  }
0x7f: {  	_ =	shalt  }
0x80: {  	_ =	shalt  }
0x81: {  	_ =	shalt  }
0x82: {  	_ =	shalt  }
0x83: {  	_ =	shalt  }
0x84: {  	_ =	shalt  }
0x85: {  	_ =	shalt  }
0x86: {  	_ =	shalt  }
0x87: {  	_ =	shalt  }
.Lfunc_end0:
.L_simem_size_0:
called_computation.1_lowered:
.L_overlay_start_0:
0x88: {  	s2 =	sld [smem:$0x3FD9]  }
0x89: {  	s3 =	sld [smem:$0x3FFE];
	_ =	sdelay $0x1  }
0x8a: {  	s1 =	srdreg.scid  }
0x8b: {  	s0 =	sand.u32 $0x1, s1  }
0x8c: {  	s17 =	sshll.u32 s0, $0xA;
	s2 =	sadd.s32 s3, s2  }
0x8d: {  	s2 =	sadd.s32 s2, s17  }
0x8e: {  	[smem:$0x3FC2] =	sst s2  }
0x8f: {  	_ = 	snop  }
0x90: {  	s2 =	sld [smem:$0x3FD0];
	(tm) =	ssettm $0x1  }
0x91: {  	s18 =	sld [smem:$0x3FFB];
	_ =	sdelay $0x3  }
0x92: {  	_ =	strace s18  }
0x93: {  	s3 =	sld [smem:$0x3FFC];
	_ =	sdelay $0x3  }
0x94: {  	_ =	strace s3  }
0x95: {  	s3 =	sld [smem:$0x3FFD];
	_ =	sdelay $0x3  }
0x96: {  	_ =	strace s3  }
0x97: {  	_ =	strace $0x8FFFFFFF  }
0x98: {  	s19 =	sld [smem:$0x3FDB];
	_ =	sdelay $0x1  }
0x99: {  	s4 =	simm.s32 $_scs_section_size  }
0x9a: {  	s5 =	simm.s32 $_size__tile_overlayer_lowered;
	s6 =	simm.s32 $_tile_overlayer_lowered  }
0x9b: {  	s22 =	simm.s32 $0x1BFF;
	s21 =	sshll.u32 s6, $0x1;
	s3 =	sadd.s32 s4, s19  }
0x9c: {  	s7 =	simm.s32 $0x0;
	s20 =	sshll.u32 s5, $0x1;
	s5 =	sadd.s32 s21, s3  }
0x9d: {  	[timem:s7], [sflag:s22] =	dma.local [hbm:s5], s20  }
0x9e: {  	_ =	swait.ge [sflag:s22], s20  }
0x9f: {  	s4 =	ssub.s32 $0x0, s20;
	[sflag:s22] =	ssyncset.done $0x0  }
0xa0: {  	[sflag:s22] =	ssyncadd.s32 s4;
	_ =	sdelay $0x1  }
0xa1: {  	s23 =	simm.s32 $0x1B8B  }
0xa2: {  	_ =	swait.ge [sflag:s23], $0x1  }
0xa3: {  	[sflag:s23] =	ssyncset.done $0x0  }
0xa4: {  	s25 =	simm.s32 $0x1B8E;
	s24 =	sld [smem:$0x3FFE];
	[sflag:s23] =	ssyncadd.s32 $0xFFFFFFFF  }
0xa5: {  	s26 =	simm.s32 $execute0_lowered;
	[smem:$0x3FD2] =	sst s25  }
0xa6: {  	s5 =	sshll.u32 s26, $0x1;
	_ =	strace $0x80000049;
	[dreg:$0x1] =	wrdreg $0xFFFFFFFF  }
0xa7: {  	s28 =	simm.s32 $_size_execute0_lowered;
	s3 =	sadd.s32 s3, s5;
	[dreg:$0x0] =	wrdreg $0x0  }
0xa8: {  	s5 =	sshll.u32 s28, $0x1;
	[dreg:$0x2] =	wrdreg s3  }
0xa9: {  	[dreg:$0x3] =	wrdreg s5  }
0xaa: {  	[dreg:$0x4] =	wrdreg $0xC0  }
0xab: {  	_ =	task [dreg:s7], $0x5FFFF  }
0xac: {  	[dreg:$0x1] =	wrdreg $0xFFFFFFFF  }
0xad: {  	[dreg:$0x0] =	wrdreg $0x60  }
0xae: {  	[dreg:$0x2] =	wrdreg s24  }
0xaf: {  	[dreg:$0x3] =	wrdreg s2  }
0xb0: {  	[dreg:$0x4] =	wrdreg $0x11C400  }
0xb1: {  	[dreg:$0x5] =	wrdreg $0x9  }
0xb2: {  	_ =	task.clear_ibuf [dreg:s7], $0x6FFFF;
	_ =	strace $0x90000049  }
0xb3: {  	s29 =	simm.s32 $0x9;
	_ =	strace $0x8000004B  }
0xb4: {  	_ =	swait.ge [sflag:s29], $0x1  }
0xb5: {  	[sflag:s29] =	ssyncadd.s32 $0xFFFFFFFF  }
0xb6: {  	_ =	strace $0x9000004B  }
0xb7: {  	_ =	sfence  }
0xb8: {  	s30 =	sld [smem:$0x0];
	_ =	sdelay $0x2  }
0xb9: {  	s31 =	sshll.u32 s1, $0xD;
	s1 =	sshrl.u32 s1, $0x2  }
0xba: {  	s3 =	sand.u32 $0x4000, s31;
	s1 =	sadd.s32 s1, s30  }
0xbb: {  	s0 =	sor.u32 s3, s0;
	s1 =	sshll.u32 s1, $0x11  }
0xbc: {  	s0 =	sor.u32 s1, s0  }
0xbd: {  	s0 =	sadd.s32 $0x8F2B, s0  }
0xbe: {  	[sflag:s0] =	ssyncadd.remote.s32 $0x1  }
0xbf: {  	_ =	sfence.sel $0xFFFF  }
0xc0: {  	[dreg:$0x0] =	wrdreg $0xFFFFFFFF;
	(pc) =	sbr.abs _section_cstart, $3  }
0xc1: {  	[dreg:$0x1] =	wrdreg $0xFFFFFFFF  }
0xc2: {  	_ =	task.clear_ibuf [dreg:s7], $0x2FFFF;
	_ =	strace $0x9FFFFFFF  }
0xc3: {  	(tm) =	ssettm $0x7FFFFFFF  }
tec
execute0_lowered:
.L_overlay_start_1:
0x0: {  	(tag) =	ssettag $0x1  }
0x1: {  	s0 =	rddreg [dreg:$0x0]  }
0x2: {  	s3 =	rddreg [dreg:$0x1]  }
0x3: {  	s1 =	rddreg [dreg:$0x2]  }
0x4: {  	s2 =	simm.s32 $0x0;
	s4 =	srdreg.scid;
	s8 =	stileid.u32  }
0x5: {  	s28 =	simm.s32 $0xBC40;
	s30 =	simm.s32 $0xDC40;
	s29 =	simm.s32 $0x3  }
0x6: {  	s31 =	simm.s32 $0x4;
	[smem:$0x7FF] =	sst s2;
	s12 =	sand.u32 $0x1, s4  }
0x7: {  	s4 =	sadd.s32 $0x1A00, s0;
	s13 =	smul.u32 $0xA000, s8;
	s5 =	sadd.s32 $0x15400, s0  }
0x8: {  	s0 =	sadd.s32 $0x28E00, s0;
	s10 =	smul.u32 $0x4E20, s8;
	s6 =	ssub.s32 $0x2, s12  }
0x9: {  	_ =	strace $0x8000004A;
	p0 =	seq.s32 s12, $0x1;
	s7 =	sshrl.u32 s6, $0x1  }
0xa: {  	s15 =	sadd.s32 $0x2000, s13;
	s17 =	sadd.s32 $0x4000, s13;
	s18 =	sadd.s32 $0x6000, s13  }
0xb: {  	s10 =	sshrl.u32 s10, $0x3;
	s19 =	sadd.s32 $0x8000, s13;
	s14 =	ssub.s32 s6, s7  }
0xc: {  	s6 =	sadd.s32 s13, s1;
	s7 =	sadd.s32 s15, s1;
	s10 =	sadd.s32 s3, s10  }
0xd: {  	s8 =	sadd.s32 s17, s1;
	s9 =	sadd.s32 s18, s1;
	s16 =	sadd.s32 $0x9C0, s10  }
0xe: {  	s3 =	smul.u32 $0xA0000, s12;
	s26 =	sadd.s32 $0x9C40, s10;
	[dreg:$0x4] =	wrdreg s16  }
0xf: {  	s11 =	sadd.s32 s19, s1;
	s20 =	sadd.s32 $0xA600, s10;
	[dreg:$0x5] =	wrdreg s26  }
0x10: {  	[dreg:$0x6] =	wrdreg s20;
	s13 =	sadd.s32 s13, s3;
	s15 =	sadd.s32 s3, s15  }
0x11: {  	s24 =	sadd.s32 s3, s17;
	s25 =	sadd.s32 s3, s18;
	s3 =	sadd.s32 s3, s19  }
0x12: {  	s20 =	smax.u32 s14, $0x1;
	s21 =	sshrl.u32 s13, $0x3;
	s22 =	sshrl.u32 s15, $0x3  }
0x13: {  	s26 =	sshrl.u32 s25, $0x3;
	s3 =	sshrl.u32 s3, $0x3;
	s25 =	simm.s32 $0x9C20  }
0x14: {  	s13 =	simm.s32 $0x0;
	s12 =	sadd.s32 s0, s21;
	s23 =	sadd.s32 s0, s22  }
.Ltmp0:
0x15: {  	s18 =	sadd.s32 s0, s26;
	s19 =	sadd.s32 s0, s3;
	(pc) =	sbr.rel .LBB2_1-.Ltmp0, $4  }
0x16: {  	s21 =	simm.s32 $0x9C40;
	s22 =	simm.s32 $0x5;
	[dreg:$0x7] =	wrdreg s12  }
0x17: {  	s26 =	simm.s32 $0x80;
	s3 =	simm.s32 $0x1;
	[dreg:$0x8] =	wrdreg s23  }
0x18: {  	s12 =	sshrl.u32 s24, $0x3;
	s23 =	simm.s32 $0x4E00;
	s24 =	simm.s32 $0x2  }
0x19: {  	v0 =	vimm.f32 $0.0e+00;
	s17 =	sadd.s32 s0, s12;
	s0 =	simm.s32 $0xFC40;
	s12 =	simm.s32 $0x20  }
.LBB2_6:
0x1a: {  	[tilespmem:s0], [sflag:$0x4] =	stream.indirect.gather [hbm4b:s4+s26], $0x40, s15, s26, $0xb8;
	[tilespmem:$0x1BC40] =	vst v63  }
0x1b: {  	s14 =	smov.u32 s4  }
.LBB2_10:
0x1c: {  	_ =	swait.ge [sflag:s3], $0x2000  }
0x1d: {  	[sflag:s3] =	ssyncset.done $0x0  }
0x1e: {  	s15 =	simm.s32 $0x9A20;
	[sflag:s3] =	ssyncadd.s32 $0xFFFFE000  }
0x1f: {  	[spmem:s1] =	stream.indirect.scatter.add.f32 [tilespmem:s21], [sflag:$0x5], $0x40, s15, s26, $0xb8;
	[tilespmem:$0x1BC40] =	vst v63  }
0x20: {  	_ =	swait.ge [sflag:s22], $0x2000  }
0x21: {  	[sflag:s22] =	ssyncset.done $0x0  }
0x22: {  	[sflag:s22] =	ssyncadd.s32 $0xFFFFE000  }
0x23: {  	_ =	swait.ge [sflag:s24], $0x2000  }
0x24: {  	[sflag:s24] =	ssyncset.done $0x0  }
0x25: {  	s16 =	simm.s32 $0x9AA0;
	[sflag:s24] =	ssyncadd.s32 $0xFFFFE000  }
0x26: {  	[spmem:s1] =	stream.indirect.scatter.add.f32 [tilespmem:s28], [sflag:$0x5], $0x40, s16, s26, $0xb8;
	[tilespmem:$0x1BC40] =	vst v63  }
0x27: {  	_ =	swait.ge [sflag:s22], $0x2000  }
0x28: {  	[sflag:s22] =	ssyncset.done $0x0  }
0x29: {  	[sflag:s22] =	ssyncadd.s32 $0xFFFFE000  }
0x2a: {  	_ =	swait.ge [sflag:s29], $0x2000  }
0x2b: {  	[sflag:s29] =	ssyncset.done $0x0  }
0x2c: {  	s16 =	simm.s32 $0x9B20;
	[sflag:s29] =	ssyncadd.s32 $0xFFFFE000  }
0x2d: {  	[spmem:s1] =	stream.indirect.scatter.add.f32 [tilespmem:s30], [sflag:$0x5], $0x40, s16, s26, $0xb8;
	[tilespmem:$0x1BC40] =	vst v63  }
0x2e: {  	_ =	swait.ge [sflag:s22], $0x2000  }
0x2f: {  	[sflag:s22] =	ssyncset.done $0x0  }
0x30: {  	[sflag:s22] =	ssyncadd.s32 $0xFFFFE000  }
0x31: {  	_ =	swait.ge [sflag:s31], $0x2000  }
0x32: {  	[sflag:s31] =	ssyncset.done $0x0  }
0x33: {  	s16 =	simm.s32 $0x9BA0;
	[sflag:s31] =	ssyncadd.s32 $0xFFFFE000  }
0x34: {  	[spmem:s1] =	stream.indirect.scatter.add.f32 [tilespmem:s0], [sflag:$0x5], $0x40, s16, s26, $0xb8;
	[tilespmem:$0x1BC40] =	vst v63  }
0x35: {  	_ =	swait.ge [sflag:s22], $0x2000  }
0x36: {  	[sflag:s22] =	ssyncset.done $0x0  }
0x37: {  	[sflag:s22] =	ssyncadd.s32 $0xFFFFE000  }
0x38: {  	[tilespmem:s21], [sflag:$0x5] =	stream.indirect.gather [hbm4b:s14+s12], $0x40, s23, s12, $0xb8;
	[tilespmem:$0x1BC40] =	vst v63  }
0x39: {  	_ =	swait.ge [sflag:s22], $0x800  }
0x3a: {  	[sflag:s22] =	ssyncset.done $0x0  }
0x3b: {  	[sflag:s22] =	ssyncadd.s32 $0xFFFFF800  }
0x3c: {  	[spmem:s1] =	stream.indirect.scatter.add.f32 [tilespmem:s21], [sflag:$0x5], $0x40, s25, s12, $0xb8;
	[tilespmem:$0x1BC40] =	vst v63  }
0x3d: {  	_ =	swait.ge [sflag:s22], $0x800  }
0x3e: {  	[sflag:s22] =	ssyncset.done $0x0  }
0x3f: {  	[sflag:s22] =	ssyncadd.s32 $0xFFFFF800  }
0x40: {  	[bflag:$0x0] =	sbarrier.arrive $0xFFFF  }
0x41: {  	[tilespmem:s21], [sflag:$0x5] =	stream.linear.gather [spmem:s6], $0x2000, $0x38;
	[tilespmem:$0x1BC40] =	vst v63  }
0x42: {  	_ =	swait.ge [sflag:s22], $0x2000  }
0x43: {  	[sflag:s22] =	ssyncset.done $0x0  }
0x44: {  	s15 =	rddreg [dreg:$0x7];
	[sflag:s22] =	ssyncadd.s32 $0xFFFFE000  }
0x45: {  	[hbm4b:s15+s2] =	stream.linear.scatter [tilespmem:s21], [sflag:$0x5], $0x2000, $0x38;
	[tilespmem:$0x1BC40] =	vst v63  }
0x46: {  	_ =	swait.ge [sflag:s22], $0x2000  }
0x47: {  	[sflag:s22] =	ssyncset.done $0x0  }
0x48: {  	[sflag:s22] =	ssyncadd.s32 $0xFFFFE000  }
0x49: {  	[tilespmem:s28], [sflag:$0x5] =	stream.linear.gather [spmem:s7], $0x2000, $0x38;
	[tilespmem:$0x1BC40] =	vst v63  }
0x4a: {  	_ =	swait.ge [sflag:s22], $0x2000  }
0x4b: {  	[sflag:s22] =	ssyncset.done $0x0  }
0x4c: {  	s16 =	rddreg [dreg:$0x8];
	[sflag:s22] =	ssyncadd.s32 $0xFFFFE000  }
0x4d: {  	[hbm4b:s16+s2] =	stream.linear.scatter [tilespmem:s28], [sflag:$0x5], $0x2000, $0x38;
	[tilespmem:$0x1BC40] =	vst v63  }
0x4e: {  	_ =	swait.ge [sflag:s22], $0x2000  }
0x4f: {  	[sflag:s22] =	ssyncset.done $0x0  }
0x50: {  	[sflag:s22] =	ssyncadd.s32 $0xFFFFE000  }
0x51: {  	[tilespmem:s30], [sflag:$0x5] =	stream.linear.gather [spmem:s8], $0x2000, $0x38;
	[tilespmem:$0x1BC40] =	vst v63  }
0x52: {  	_ =	swait.ge [sflag:s22], $0x2000  }
0x53: {  	[sflag:s22] =	ssyncset.done $0x0  }
0x54: {  	[sflag:s22] =	ssyncadd.s32 $0xFFFFE000  }
0x55: {  	[hbm4b:s17+s2] =	stream.linear.scatter [tilespmem:s30], [sflag:$0x5], $0x2000, $0x38;
	[tilespmem:$0x1BC40] =	vst v63  }
0x56: {  	_ =	swait.ge [sflag:s22], $0x2000  }
0x57: {  	[sflag:s22] =	ssyncset.done $0x0  }
0x58: {  	[sflag:s22] =	ssyncadd.s32 $0xFFFFE000  }
0x59: {  	[tilespmem:s0], [sflag:$0x5] =	stream.linear.gather [spmem:s9], $0x2000, $0x38;
	[tilespmem:$0x1BC40] =	vst v63  }
0x5a: {  	_ =	swait.ge [sflag:s22], $0x2000  }
0x5b: {  	[sflag:s22] =	ssyncset.done $0x0  }
0x5c: {  	[sflag:s22] =	ssyncadd.s32 $0xFFFFE000  }
0x5d: {  	[hbm4b:s18+s2] =	stream.linear.scatter [tilespmem:s0], [sflag:$0x5], $0x2000, $0x38;
	[tilespmem:$0x1BC40] =	vst v63  }
0x5e: {  	_ =	swait.ge [sflag:s22], $0x2000  }
0x5f: {  	[sflag:s22] =	ssyncset.done $0x0  }
0x60: {  	[sflag:s22] =	ssyncadd.s32 $0xFFFFE000  }
0x61: {  	[tilespmem:s21], [sflag:$0x5] =	stream.linear.gather [spmem:s11], $0x2000, $0x38;
	[tilespmem:$0x1BC40] =	vst v63  }
0x62: {  	s13 =	sadd.s32 $0x1, s13;
	_ =	swait.ge [sflag:s22], $0x2000  }
0x63: {  	p1 =	sne.s32 s13, s20;
	[sflag:s22] =	ssyncset.done $0x0  }
.Ltmp1:
0x64: {  	[sflag:s22] =	ssyncadd.s32 $0xFFFFE000;
	(pc) =	sbr.rel @!p1 .LBB2_11-.Ltmp1, $4  }
0x65: {  	[hbm4b:s19+s2] =	stream.linear.scatter [tilespmem:s21], [sflag:$0x5], $0x2000, $0x38;
	[tilespmem:$0x1BC40] =	vst v63  }
0x66: {  	_ =	swait.ge [sflag:s22], $0x2000  }
0x67: {  	[sflag:s22] =	ssyncset.done $0x0  }
0x68: {  	[sflag:s22] =	ssyncadd.s32 $0xFFFFE000  }
.LBB2_1:
0x69: {  	s15 =	simm.s32 $0x100;
	s14 =	simm.s32 $0x0  }
.LBB2_2:
0x6a: {  	p1 =	sne.s32 s15, $0x7F00;
	[tilespmem:s14+$0x9C70] =	vst v0;
	s16 =	smov.u32 s15;
	s15 =	sadd.s32 $0x100, s15  }
.Ltmp2:
0x6b: {  	[tilespmem:s14+$0x9C60] =	vst v0;
	(pc) =	sbr.rel @p1 .LBB2_2-.Ltmp2, $3  }
0x6c: {  	[tilespmem:s14+$0x9C40] =	vst v0  }
0x6d: {  	[tilespmem:s14+$0x9C50] =	vst v0;
	_ =	sdelay $0x1  }
0x6e: {  	s14 =	sshra.s32 s16, $0x2  }
0x6f: {  	[tilespmem:s14+$0x9C70] =	vst v0  }
0x70: {  	[tilespmem:s14+$0x9C60] =	vst v0  }
0x71: {  	[tilespmem:s14+$0x9C40] =	vst v0  }
0x72: {  	[tilespmem:s14+$0x9C50] =	vst v0  }
0x73: {  	[spmem:s6] =	stream.linear.scatter [tilespmem:s21], [sflag:$0x5], $0x2000, $0x38;
	[tilespmem:$0x1BC40] =	vst v63  }
0x74: {  	_ =	swait.ge [sflag:s22], $0x2000  }
0x75: {  	[sflag:s22] =	ssyncset.done $0x0  }
0x76: {  	[sflag:s22] =	ssyncadd.s32 $0xFFFFE000  }
0x77: {  	[spmem:s7] =	stream.linear.scatter [tilespmem:s21], [sflag:$0x5], $0x2000, $0x38;
	[tilespmem:$0x1BC40] =	vst v63  }
0x78: {  	_ =	swait.ge [sflag:s22], $0x2000  }
0x79: {  	[sflag:s22] =	ssyncset.done $0x0  }
0x7a: {  	[sflag:s22] =	ssyncadd.s32 $0xFFFFE000  }
0x7b: {  	[spmem:s8] =	stream.linear.scatter [tilespmem:s21], [sflag:$0x5], $0x2000, $0x38;
	[tilespmem:$0x1BC40] =	vst v63  }
0x7c: {  	_ =	swait.ge [sflag:s22], $0x2000  }
0x7d: {  	[sflag:s22] =	ssyncset.done $0x0  }
0x7e: {  	[sflag:s22] =	ssyncadd.s32 $0xFFFFE000  }
0x7f: {  	[spmem:s9] =	stream.linear.scatter [tilespmem:s21], [sflag:$0x5], $0x2000, $0x38;
	[tilespmem:$0x1BC40] =	vst v63  }
0x80: {  	_ =	swait.ge [sflag:s22], $0x2000  }
0x81: {  	[sflag:s22] =	ssyncset.done $0x0  }
0x82: {  	[sflag:s22] =	ssyncadd.s32 $0xFFFFE000  }
0x83: {  	[spmem:s11] =	stream.linear.scatter [tilespmem:s21], [sflag:$0x5], $0x2000, $0x38;
	[tilespmem:$0x1BC40] =	vst v63  }
0x84: {  	_ =	swait.ge [sflag:s22], $0x2000  }
0x85: {  	[sflag:s22] =	ssyncset.done $0x0  }
0x86: {  	[sflag:s22] =	ssyncadd.s32 $0xFFFFE000  }
0x87: {  	[bflag:$0x0] =	sbarrier.arrive $0xFFFF  }
0x88: {  	[tilespmem:s2], [sflag:$0x5] =	stream.linear.gather [hbm4b:s10+s2], $0x4E00, $0x38;
	[tilespmem:$0x1BC40] =	vst v63  }
0x89: {  	_ =	swait.ge [sflag:s22], $0x4E00  }
0x8a: {  	[sflag:s22] =	ssyncset.done $0x0  }
0x8b: {  	s15 =	rddreg [dreg:$0x4];
	[sflag:s22] =	ssyncadd.s32 $0xFFFFB200  }
0x8c: {  	[tilespmem:s23], [sflag:$0x5] =	stream.linear.gather [hbm4b:s15+s2], $0x20, $0x38;
	[tilespmem:$0x1BC40] =	vst v63  }
0x8d: {  	_ =	swait.ge [sflag:s22], $0x20  }
0x8e: {  	[sflag:s22] =	ssyncset.done $0x0  }
0x8f: {  	s15 =	simm.s32 $0x4E20;
	s16 =	rddreg [dreg:$0x5];
	[sflag:s22] =	ssyncadd.s32 $0xFFFFFFE0  }
0x90: {  	[tilespmem:s15], [sflag:$0x5] =	stream.linear.gather [hbm4b:s16+s2], $0x4E00, $0x38;
	[tilespmem:$0x1BC40] =	vst v63  }
0x91: {  	_ =	swait.ge [sflag:s22], $0x4E00  }
0x92: {  	[sflag:s22] =	ssyncset.done $0x0  }
.Ltmp3:
0x93: {  	s16 =	rddreg [dreg:$0x6];
	[sflag:s22] =	ssyncadd.s32 $0xFFFFB200;
	(pc) =	sbr.rel @!p0 .LBB2_4-.Ltmp3, $4  }
0x94: {  	[tilespmem:s25], [sflag:$0x5] =	stream.linear.gather [hbm4b:s16+s2], $0x20, $0x38;
	[tilespmem:$0x1BC40] =	vst v63  }
0x95: {  	_ =	swait.ge [sflag:s22], $0x20  }
0x96: {  	[sflag:s22] =	ssyncset.done $0x0  }
0x97: {  	s14 =	simm.s32 $0x0;
	[sflag:s22] =	ssyncadd.s32 $0xFFFFFFE0  }
0x98: {  	[tilespmem:s21], [sflag:$0x1] =	stream.indirect.gather [hbm4b:s5+s26], $0x40, s14, s26, $0xb8;
	[tilespmem:$0x1BC40] =	vst v63  }
0x99: {  	_ = 	snop  }
0x9a: {  	[tilespmem:s28], [sflag:$0x2] =	stream.indirect.gather [hbm4b:s5+s26], $0x40, s26, s26, $0xb8;
	[tilespmem:$0x1BC40] =	vst v63  }
0x9b: {  	s16 =	simm.s32 $0x100  }
0x9c: {  	[tilespmem:s30], [sflag:$0x3] =	stream.indirect.gather [hbm4b:s5+s26], $0x40, s16, s26, $0xb8;
	[tilespmem:$0x1BC40] =	vst v63  }
0x9d: {  	s15 =	simm.s32 $0x180  }
0x9e: {  	[tilespmem:s0], [sflag:$0x4] =	stream.indirect.gather [hbm4b:s5+s26], $0x40, s15, s26, $0xb8;
	[tilespmem:$0x1BC40] =	vst v63  }
0x9f: {  	_ =	swait.ge [sflag:s3], $0x2000  }
0xa0: {  	[sflag:s3] =	ssyncset.done $0x0  }
0xa1: {  	s16 =	simm.s32 $0x4E20;
	[sflag:s3] =	ssyncadd.s32 $0xFFFFE000  }
0xa2: {  	[spmem:s1] =	stream.indirect.scatter.add.f32 [tilespmem:s21], [sflag:$0x5], $0x40, s16, s26, $0xb8;
	[tilespmem:$0x1BC40] =	vst v63  }
0xa3: {  	_ =	swait.ge [sflag:s22], $0x2000  }
0xa4: {  	[sflag:s22] =	ssyncset.done $0x0  }
0xa5: {  	s15 =	simm.s32 $0x200;
	[sflag:s22] =	ssyncadd.s32 $0xFFFFE000  }
0xa6: {  	[tilespmem:s21], [sflag:$0x1] =	stream.indirect.gather [hbm4b:s5+s26], $0x40, s15, s26, $0xb8;
	[tilespmem:$0x1BC40] =	vst v63  }
0xa7: {  	_ =	swait.ge [sflag:s24], $0x2000  }
0xa8: {  	[sflag:s24] =	ssyncset.done $0x0  }
0xa9: {  	s16 =	simm.s32 $0x4EA0;
	[sflag:s24] =	ssyncadd.s32 $0xFFFFE000  }
0xaa: {  	[spmem:s1] =	stream.indirect.scatter.add.f32 [tilespmem:s28], [sflag:$0x5], $0x40, s16, s26, $0xb8;
	[tilespmem:$0x1BC40] =	vst v63  }
0xab: {  	_ =	swait.ge [sflag:s22], $0x2000  }
0xac: {  	[sflag:s22] =	ssyncset.done $0x0  }
0xad: {  	s15 =	simm.s32 $0x280;
	[sflag:s22] =	ssyncadd.s32 $0xFFFFE000  }
0xae: {  	[tilespmem:s28], [sflag:$0x2] =	stream.indirect.gather [hbm4b:s5+s26], $0x40, s15, s26, $0xb8;
	[tilespmem:$0x1BC40] =	vst v63  }
0xaf: {  	_ =	swait.ge [sflag:s29], $0x2000  }
0xb0: {  	[sflag:s29] =	ssyncset.done $0x0  }
0xb1: {  	s16 =	simm.s32 $0x4F20;
	[sflag:s29] =	ssyncadd.s32 $0xFFFFE000  }
0xb2: {  	[spmem:s1] =	stream.indirect.scatter.add.f32 [tilespmem:s30], [sflag:$0x5], $0x40, s16, s26, $0xb8;
	[tilespmem:$0x1BC40] =	vst v63  }
0xb3: {  	_ =	swait.ge [sflag:s22], $0x2000  }
0xb4: {  	[sflag:s22] =	ssyncset.done $0x0  }
0xb5: {  	s15 =	simm.s32 $0x300;
	[sflag:s22] =	ssyncadd.s32 $0xFFFFE000  }
0xb6: {  	[tilespmem:s30], [sflag:$0x3] =	stream.indirect.gather [hbm4b:s5+s26], $0x40, s15, s26, $0xb8;
	[tilespmem:$0x1BC40] =	vst v63  }
0xb7: {  	_ =	swait.ge [sflag:s31], $0x2000  }
0xb8: {  	[sflag:s31] =	ssyncset.done $0x0  }
0xb9: {  	s16 =	simm.s32 $0x4FA0;
	[sflag:s31] =	ssyncadd.s32 $0xFFFFE000  }
0xba: {  	[spmem:s1] =	stream.indirect.scatter.add.f32 [tilespmem:s0], [sflag:$0x5], $0x40, s16, s26, $0xb8;
	[tilespmem:$0x1BC40] =	vst v63  }
0xbb: {  	_ =	swait.ge [sflag:s22], $0x2000  }
0xbc: {  	[sflag:s22] =	ssyncset.done $0x0  }
0xbd: {  	s14 =	simm.s32 $0x800;
	s15 =	simm.s32 $0x380;
	[sflag:s22] =	ssyncadd.s32 $0xFFFFE000  }
.LBB2_8:
0xbe: {  	[tilespmem:s0], [sflag:$0x4] =	stream.indirect.gather [hbm4b:s5+s26], $0x40, s15, s26, $0xb8;
	[tilespmem:$0x1BC40] =	vst v63  }
0xbf: {  	s15 =	smov.u32 s14  }
0xc0: {  	p1 =	sne.s32 s14, $0x12800;
	s14 =	sadd.s32 $0x800, s14;
	_ =	swait.ge [sflag:s3], $0x2000  }
0xc1: {  	s15 =	sshra.s32 s15, $0x2;
	[sflag:s3] =	ssyncset.done $0x0  }
0xc2: {  	s16 =	sadd.s32 $0x4E20, s15;
	[sflag:s3] =	ssyncadd.s32 $0xFFFFE000  }
0xc3: {  	[spmem:s1] =	stream.indirect.scatter.add.f32 [tilespmem:s21], [sflag:$0x5], $0x40, s16, s26, $0xb8;
	[tilespmem:$0x1BC40] =	vst v63  }
0xc4: {  	_ =	swait.ge [sflag:s22], $0x2000  }
0xc5: {  	[sflag:s22] =	ssyncset.done $0x0  }
0xc6: {  	s16 =	sadd.s32 $0x200, s15;
	[sflag:s22] =	ssyncadd.s32 $0xFFFFE000  }
0xc7: {  	[tilespmem:s21], [sflag:$0x1] =	stream.indirect.gather [hbm4b:s5+s26], $0x40, s16, s26, $0xb8;
	[tilespmem:$0x1BC40] =	vst v63  }
0xc8: {  	_ =	swait.ge [sflag:s24], $0x2000  }
0xc9: {  	[sflag:s24] =	ssyncset.done $0x0  }
0xca: {  	s16 =	sadd.s32 $0x4EA0, s15;
	[sflag:s24] =	ssyncadd.s32 $0xFFFFE000  }
0xcb: {  	[spmem:s1] =	stream.indirect.scatter.add.f32 [tilespmem:s28], [sflag:$0x5], $0x40, s16, s26, $0xb8;
	[tilespmem:$0x1BC40] =	vst v63  }
0xcc: {  	_ =	swait.ge [sflag:s22], $0x2000  }
0xcd: {  	[sflag:s22] =	ssyncset.done $0x0  }
0xce: {  	s16 =	sadd.s32 $0x280, s15;
	[sflag:s22] =	ssyncadd.s32 $0xFFFFE000  }
0xcf: {  	[tilespmem:s28], [sflag:$0x2] =	stream.indirect.gather [hbm4b:s5+s26], $0x40, s16, s26, $0xb8;
	[tilespmem:$0x1BC40] =	vst v63  }
0xd0: {  	_ =	swait.ge [sflag:s29], $0x2000  }
0xd1: {  	[sflag:s29] =	ssyncset.done $0x0  }
0xd2: {  	s16 =	sadd.s32 $0x4F20, s15;
	[sflag:s29] =	ssyncadd.s32 $0xFFFFE000  }
0xd3: {  	[spmem:s1] =	stream.indirect.scatter.add.f32 [tilespmem:s30], [sflag:$0x5], $0x40, s16, s26, $0xb8;
	[tilespmem:$0x1BC40] =	vst v63  }
0xd4: {  	_ =	swait.ge [sflag:s22], $0x2000  }
0xd5: {  	[sflag:s22] =	ssyncset.done $0x0  }
0xd6: {  	s16 =	sadd.s32 $0x300, s15;
	[sflag:s22] =	ssyncadd.s32 $0xFFFFE000  }
0xd7: {  	[tilespmem:s30], [sflag:$0x3] =	stream.indirect.gather [hbm4b:s5+s26], $0x40, s16, s26, $0xb8;
	[tilespmem:$0x1BC40] =	vst v63  }
0xd8: {  	_ =	swait.ge [sflag:s31], $0x2000  }
0xd9: {  	[sflag:s31] =	ssyncset.done $0x0  }
.Ltmp4:
0xda: {  	s16 =	sadd.s32 $0x4FA0, s15;
	[sflag:s31] =	ssyncadd.s32 $0xFFFFE000;
	(pc) =	sbr.rel @p1 .LBB2_8-.Ltmp4, $4  }
0xdb: {  	[spmem:s1] =	stream.indirect.scatter.add.f32 [tilespmem:s0], [sflag:$0x5], $0x40, s16, s26, $0xb8;
	[tilespmem:$0x1BC40] =	vst v63  }
0xdc: {  	_ =	swait.ge [sflag:s22], $0x2000  }
0xdd: {  	[sflag:s22] =	ssyncset.done $0x0  }
0xde: {  	s15 =	sadd.s32 $0x380, s15;
	[sflag:s22] =	ssyncadd.s32 $0xFFFFE000  }
.Ltmp5:
0xdf: {  	(pc) =	sbr.rel .LBB2_10-.Ltmp5, $3  }
0xe0: {  	_ =	sdelay $0x1  }
0xe1: {  	[tilespmem:s0], [sflag:$0x4] =	stream.indirect.gather [hbm4b:s5+s26], $0x40, s15, s26, $0xb8;
	[tilespmem:$0x1BC40] =	vst v63  }
0xe2: {  	s14 =	smov.u32 s5  }
.LBB2_4:
0xe3: {  	[tilespmem:s21], [sflag:$0x1] =	stream.indirect.gather [hbm4b:s4+s26], $0x40, s14, s26, $0xb8;
	[tilespmem:$0x1BC40] =	vst v63  }
0xe4: {  	_ = 	snop  }
0xe5: {  	[tilespmem:s28], [sflag:$0x2] =	stream.indirect.gather [hbm4b:s4+s26], $0x40, s26, s26, $0xb8;
	[tilespmem:$0x1BC40] =	vst v63  }
0xe6: {  	s16 =	simm.s32 $0x100  }
0xe7: {  	[tilespmem:s30], [sflag:$0x3] =	stream.indirect.gather [hbm4b:s4+s26], $0x40, s16, s26, $0xb8;
	[tilespmem:$0x1BC40] =	vst v63  }
0xe8: {  	s15 =	simm.s32 $0x180  }
0xe9: {  	[tilespmem:s0], [sflag:$0x4] =	stream.indirect.gather [hbm4b:s4+s26], $0x40, s15, s26, $0xb8;
	[tilespmem:$0x1BC40] =	vst v63  }
0xea: {  	_ =	swait.ge [sflag:s3], $0x2000  }
0xeb: {  	[sflag:s3] =	ssyncset.done $0x0  }
0xec: {  	s16 =	simm.s32 $0x4E20;
	[sflag:s3] =	ssyncadd.s32 $0xFFFFE000  }
0xed: {  	[spmem:s1] =	stream.indirect.scatter.add.f32 [tilespmem:s21], [sflag:$0x5], $0x40, s16, s26, $0xb8;
	[tilespmem:$0x1BC40] =	vst v63  }
0xee: {  	_ =	swait.ge [sflag:s22], $0x2000  }
0xef: {  	[sflag:s22] =	ssyncset.done $0x0  }
0xf0: {  	s15 =	simm.s32 $0x200;
	[sflag:s22] =	ssyncadd.s32 $0xFFFFE000  }
0xf1: {  	[tilespmem:s21], [sflag:$0x1] =	stream.indirect.gather [hbm4b:s4+s26], $0x40, s15, s26, $0xb8;
	[tilespmem:$0x1BC40] =	vst v63  }
0xf2: {  	_ =	swait.ge [sflag:s24], $0x2000  }
0xf3: {  	[sflag:s24] =	ssyncset.done $0x0  }
0xf4: {  	s16 =	simm.s32 $0x4EA0;
	[sflag:s24] =	ssyncadd.s32 $0xFFFFE000  }
0xf5: {  	[spmem:s1] =	stream.indirect.scatter.add.f32 [tilespmem:s28], [sflag:$0x5], $0x40, s16, s26, $0xb8;
	[tilespmem:$0x1BC40] =	vst v63  }
0xf6: {  	_ =	swait.ge [sflag:s22], $0x2000  }
0xf7: {  	[sflag:s22] =	ssyncset.done $0x0  }
0xf8: {  	s15 =	simm.s32 $0x280;
	[sflag:s22] =	ssyncadd.s32 $0xFFFFE000  }
0xf9: {  	[tilespmem:s28], [sflag:$0x2] =	stream.indirect.gather [hbm4b:s4+s26], $0x40, s15, s26, $0xb8;
	[tilespmem:$0x1BC40] =	vst v63  }
0xfa: {  	_ =	swait.ge [sflag:s29], $0x2000  }
0xfb: {  	[sflag:s29] =	ssyncset.done $0x0  }
0xfc: {  	s16 =	simm.s32 $0x4F20;
	[sflag:s29] =	ssyncadd.s32 $0xFFFFE000  }
0xfd: {  	[spmem:s1] =	stream.indirect.scatter.add.f32 [tilespmem:s30], [sflag:$0x5], $0x40, s16, s26, $0xb8;
	[tilespmem:$0x1BC40] =	vst v63  }
0xfe: {  	_ =	swait.ge [sflag:s22], $0x2000  }
0xff: {  	[sflag:s22] =	ssyncset.done $0x0  }
0x100: {  	s15 =	simm.s32 $0x300;
	[sflag:s22] =	ssyncadd.s32 $0xFFFFE000  }
0x101: {  	[tilespmem:s30], [sflag:$0x3] =	stream.indirect.gather [hbm4b:s4+s26], $0x40, s15, s26, $0xb8;
	[tilespmem:$0x1BC40] =	vst v63  }
0x102: {  	_ =	swait.ge [sflag:s31], $0x2000  }
0x103: {  	[sflag:s31] =	ssyncset.done $0x0  }
0x104: {  	s16 =	simm.s32 $0x4FA0;
	[sflag:s31] =	ssyncadd.s32 $0xFFFFE000  }
0x105: {  	[spmem:s1] =	stream.indirect.scatter.add.f32 [tilespmem:s0], [sflag:$0x5], $0x40, s16, s26, $0xb8;
	[tilespmem:$0x1BC40] =	vst v63  }
0x106: {  	_ =	swait.ge [sflag:s22], $0x2000  }
0x107: {  	[sflag:s22] =	ssyncset.done $0x0  }
0x108: {  	s14 =	simm.s32 $0x800;
	s15 =	simm.s32 $0x380;
	[sflag:s22] =	ssyncadd.s32 $0xFFFFE000  }
.LBB2_5:
0x109: {  	[tilespmem:s0], [sflag:$0x4] =	stream.indirect.gather [hbm4b:s4+s26], $0x40, s15, s26, $0xb8;
	[tilespmem:$0x1BC40] =	vst v63  }
0x10a: {  	s15 =	smov.u32 s14  }
0x10b: {  	p1 =	seq.s32 s14, $0x12800;
	s14 =	sadd.s32 $0x800, s14;
	_ =	swait.ge [sflag:s3], $0x2000  }
0x10c: {  	s15 =	sshra.s32 s15, $0x2;
	[sflag:s3] =	ssyncset.done $0x0  }
0x10d: {  	s16 =	sadd.s32 $0x4E20, s15;
	[sflag:s3] =	ssyncadd.s32 $0xFFFFE000  }
0x10e: {  	[spmem:s1] =	stream.indirect.scatter.add.f32 [tilespmem:s21], [sflag:$0x5], $0x40, s16, s26, $0xb8;
	[tilespmem:$0x1BC40] =	vst v63  }
0x10f: {  	_ =	swait.ge [sflag:s22], $0x2000  }
0x110: {  	[sflag:s22] =	ssyncset.done $0x0  }
0x111: {  	s16 =	sadd.s32 $0x200, s15;
	[sflag:s22] =	ssyncadd.s32 $0xFFFFE000  }
0x112: {  	[tilespmem:s21], [sflag:$0x1] =	stream.indirect.gather [hbm4b:s4+s26], $0x40, s16, s26, $0xb8;
	[tilespmem:$0x1BC40] =	vst v63  }
0x113: {  	_ =	swait.ge [sflag:s24], $0x2000  }
0x114: {  	[sflag:s24] =	ssyncset.done $0x0  }
0x115: {  	s16 =	sadd.s32 $0x4EA0, s15;
	[sflag:s24] =	ssyncadd.s32 $0xFFFFE000  }
0x116: {  	[spmem:s1] =	stream.indirect.scatter.add.f32 [tilespmem:s28], [sflag:$0x5], $0x40, s16, s26, $0xb8;
	[tilespmem:$0x1BC40] =	vst v63  }
0x117: {  	_ =	swait.ge [sflag:s22], $0x2000  }
0x118: {  	[sflag:s22] =	ssyncset.done $0x0  }
0x119: {  	s16 =	sadd.s32 $0x280, s15;
	[sflag:s22] =	ssyncadd.s32 $0xFFFFE000  }
0x11a: {  	[tilespmem:s28], [sflag:$0x2] =	stream.indirect.gather [hbm4b:s4+s26], $0x40, s16, s26, $0xb8;
	[tilespmem:$0x1BC40] =	vst v63  }
0x11b: {  	_ =	swait.ge [sflag:s29], $0x2000  }
0x11c: {  	[sflag:s29] =	ssyncset.done $0x0  }
0x11d: {  	s16 =	sadd.s32 $0x4F20, s15;
	[sflag:s29] =	ssyncadd.s32 $0xFFFFE000  }
0x11e: {  	[spmem:s1] =	stream.indirect.scatter.add.f32 [tilespmem:s30], [sflag:$0x5], $0x40, s16, s26, $0xb8;
	[tilespmem:$0x1BC40] =	vst v63  }
0x11f: {  	_ =	swait.ge [sflag:s22], $0x2000  }
0x120: {  	[sflag:s22] =	ssyncset.done $0x0  }
0x121: {  	s16 =	sadd.s32 $0x300, s15;
	[sflag:s22] =	ssyncadd.s32 $0xFFFFE000  }
0x122: {  	[tilespmem:s30], [sflag:$0x3] =	stream.indirect.gather [hbm4b:s4+s26], $0x40, s16, s26, $0xb8;
	[tilespmem:$0x1BC40] =	vst v63  }
0x123: {  	_ =	swait.ge [sflag:s31], $0x2000  }
0x124: {  	[sflag:s31] =	ssyncset.done $0x0  }
.Ltmp6:
0x125: {  	s16 =	sadd.s32 $0x4FA0, s15;
	[sflag:s31] =	ssyncadd.s32 $0xFFFFE000;
	(pc) =	sbr.rel @!p1 .LBB2_5-.Ltmp6, $4  }
0x126: {  	[spmem:s1] =	stream.indirect.scatter.add.f32 [tilespmem:s0], [sflag:$0x5], $0x40, s16, s26, $0xb8;
	[tilespmem:$0x1BC40] =	vst v63  }
0x127: {  	_ =	swait.ge [sflag:s22], $0x2000  }
0x128: {  	[sflag:s22] =	ssyncset.done $0x0  }
0x129: {  	s15 =	sadd.s32 $0x380, s15;
	[sflag:s22] =	ssyncadd.s32 $0xFFFFE000  }
.Ltmp7:
0x12a: {  	_ = 	snop;
	(pc) =	sbr.rel .LBB2_6-.Ltmp7, $1  }
0x12b: {  	_ =	sdelay $0x3  }
.LBB2_11:
0x12c: {  	_ =	sfence.sel $0x180000  }
0x12d: {  	[bflag:$0x0] =	sbarrier.arrive $0xFFFF  }
0x12e: {  	_ =	strace $0x9000004A  }
0x12f: {  	s0 =	stileid.u32;
	[bflag:$0x2] =	sbarrier.arrive $0xFFFF  }
0x130: {  	p0 =	sne.s32 s0, $0x0;
	s0 =	rddreg [dreg:$0x3]  }
0x131: {  	s0 =	sadd.s32 @!p0 $0x100000, s0  }
0x132: {  	[sflag:s0] =	ssyncadd.tile.s32 @!p0 $0x1;
	_ =	shalt  }
.Lfunc_end2:
_tile_overlayer_lowered:
.L_overlay_start_2:
0x133: {  	(tag) =	ssettag $0x2  }
0x134: {  	s0 =	rddreg [dreg:$0x0];
	s2 =	stileid.u32  }
0x135: {  	s1 =	rddreg [dreg:$0x1];
	p0 =	sne.s32 s2, $0x0  }
0x136: {  	s3 =	rddreg [dreg:$0x2];
	[bflag:$0x3] =	sbarrier.arrive $0xFFFF;
	s2 =	simm.s32 @!p0 $0x1C05  }
0x137: {  	[timem:s3], [sflag:s2] =	dma.local @!p0 [hbm:s0], s1  }
0x138: {  	s0 =	simm.s32 @!p0 $0x5  }
0x139: {  	_ =	swait.ge @!p0 [sflag:s0], s1  }
0x13a: {  	s1 =	ssub.s32 @!p0 $0x0, s1;
	[sflag:s0] =	ssyncset.done @!p0 $0x0  }
0x13b: {  	[sflag:s0] =	ssyncadd.s32 @!p0 s1  }
0x13c: {  	[bflag:$0x3] =	sbarrier.arrive $0xFFFF  }
0x13d: {  	_ =	shalt  }

// kernel: kernel.7.cloned.1.call-start
scs
__scs_entry_jumppad:
0x0: {  	(pc) =	sbr.rel $0x88, $3  }
0x1: {  	(tag) =	ssettag $0x0;
	lr =	simm.s32 $0x1  }
0x2: {  	[smem:$0x3F9B] =	sst lr;
	_ =	strace $0xD0000000  }
0x3: {  	_ = 	snop  }
0x4: {  	_ = 	snop  }
0x5: {  	_ = 	snop  }
0x6: {  	_ = 	snop  }
0x7: {  	_ = 	snop  }
__scs_overlays_trampoline_lowered:
0x8: {  	[smem:$0x3FAA] =	sst s0  }
0x9: {  	[smem:$0x3FAB] =	sst s1  }
0xa: {  	[smem:$0x3FAC] =	sst s2  }
0xb: {  	[smem:$0x3FAD] =	sst s3  }
0xc: {  	[smem:$0x3FAE] =	sst s4  }
0xd: {  	[smem:$0x3FAF] =	sst s5  }
0xe: {  	[smem:$0x3FB0] =	sst s6  }
0xf: {  	[smem:$0x3FB1] =	sst s7  }
0x10: {  	[smem:$0x3FB2] =	sst s8  }
0x11: {  	[smem:$0x3FB3] =	sst s9;
	s0 =	simm.s32 @!p0 $0x0  }
0x12: {  	s1 =	sld [smem:$0x3F99];
	s0 =	simm.s32 @p0 $0x1  }
0x13: {  	[smem:$0x3FB4] =	sst s0;
	s0 =	simm.s32 @!p1 $0x0  }
0x14: {  	s2 =	sld [smem:$0x3F98];
	s0 =	simm.s32 @p1 $0x1  }
0x15: {  	[smem:$0x3FB5] =	sst s0;
	s0 =	simm.s32 @!p2 $0x0  }
0x16: {  	s3 =	sld [smem:$0x3FDB];
	s0 =	simm.s32 @p2 $0x1  }
0x17: {  	s4 =	simm.s32 $0x1BF5;
	[smem:$0x3FB7] =	sst s0  }
0x18: {  	s0 =	sld [smem:$0x3F9A];
	_ =	swait.ge [sflag:s4], $0x0  }
0x19: {  	s7 =	sld [smem:$0x3F9B]  }
0x1a: {  	s8 =	sadd.s32 $0xFFFFE003, lr  }
0x1b: {  	s9 =	sadd.s32 $0xFFFFFEF7, lr;
	s5 =	simm.s32 $0xFFFFFFFF;
	p2 =	slt.u32 s8, $0xFFFFF086  }
0x1c: {  	p1 =	slt.u32 s9, $0xF7A;
	s5 =	simm.s32 @!p2 $0x0  }
0x1d: {  	s5 =	simm.s32 @p1 $0x1;
	p0 =	seq.s32 s7, s2  }
0x1e: {  	s7 =	smul.u32 @!p0 $0xF7A, s2;
	p2 =	seq.s32 @!p0 s5, $0x0  }
0x1f: {  	s9 =	smul.u32 $0xF7A, s1;
	s8 =	simm.s32 @!p0 $0x1BF5;
	p2 =	por !p2, p0  }
0x20: {  	[sflag:s8] =	ssyncset.s32 @!p0 $0xFFFFF086;
	s6 =	sadd.s32 @!p0 s3, s7;
	s7 =	simm.s32 @!p0 $0x108  }
0x21: {  	s3 =	sadd.s32 s3, s9;
	s6 =	sadd.s32 @!p0 $0x88, s6;
	s7 =	simm.s32 @p2 $0x1082  }
0x22: {  	[simem:s7], [sflag:s8] =	dma.local @!p0 [hbm:s6], $0xF7A  }
0x23: {  	s9 =	sor.u32 $0xD0000000, s2;
	s6 =	simm.s32 $0x108;
	_ =	swait.ge @!p0 [sflag:s8], $0x0  }
0x24: {  	s3 =	sadd.s32 $0x88, s3;
	s6 =	simm.s32 @!p1 $0x1082;
	[sflag:s4] =	ssyncset.s32 $0xFFFFF086  }
0x25: {  	[simem:s6], [sflag:s4] =	dma.local [hbm:s3], $0xF7A  }
0x26: {  	[smem:$0x3F9B] =	sst s1;
	(tag) =	ssettag s2;
	_ =	strace s9  }
0x27: {  	s1 =	sld [smem:$0x3FAB]  }
0x28: {  	s2 =	sld [smem:$0x3FAC]  }
0x29: {  	s4 =	sld [smem:$0x3FAE]  }
0x2a: {  	p0 =	seq.s32 s5, $0x0;
	s5 =	sld [smem:$0x3FAF]  }
0x2b: {  	s6 =	sld [smem:$0x3FB0]  }
0x2c: {  	s7 =	sld [smem:$0x3FB1]  }
0x2d: {  	s3 =	simm.s32 $0x108;
	s8 =	sld [smem:$0x3FB2]  }
0x2e: {  	s3 =	simm.s32 @!p0 $0x1082;
	s9 =	sld [smem:$0x3FB3]  }
0x2f: {  	lr =	sadd.s32 s0, s3;
	s0 =	sld [smem:$0x3FAA]  }
0x30: {  	s3 =	sld [smem:$0x3FAD]  }
0x31: {  	[smem:$0x3FB6] =	sst s10  }
0x32: {  	s10 =	sld [smem:$0x3FB4];
	_ =	sdelay $0x3  }
0x33: {  	p0 =	seq.s32 s10, $0x1;
	s10 =	sld [smem:$0x3FB6];
	_ =	sdelay $0x3  }
0x34: {  	[smem:$0x3FB6] =	sst s10  }
0x35: {  	s10 =	sld [smem:$0x3FB5];
	_ =	sdelay $0x3  }
0x36: {  	p1 =	seq.s32 s10, $0x1;
	s10 =	sld [smem:$0x3FB6];
	_ =	sdelay $0x3  }
0x37: {  	[smem:$0x3FB6] =	sst s10  }
0x38: {  	s10 =	sld [smem:$0x3FB7]  }
0x39: {  	_ = 	snop;
	(pc) =	sbr.ind lr, $3  }
0x3a: {  	_ = 	snop  }
0x3b: {  	_ = 	snop  }
0x3c: {  	p2 =	seq.s32 s10, $0x1;
	s10 =	sld [smem:$0x3FB6]  }
0x3d: {  	_ =	shalt  }
0x3e: {  	_ =	shalt  }
0x3f: {  	_ =	shalt  }
0x40: {  	_ =	shalt  }
0x41: {  	_ =	shalt  }
0x42: {  	_ =	shalt  }
0x43: {  	_ =	shalt  }
0x44: {  	_ =	shalt  }
0x45: {  	_ =	shalt  }
0x46: {  	_ =	shalt  }
0x47: {  	_ =	shalt  }
0x48: {  	_ =	shalt  }
0x49: {  	_ =	shalt  }
0x4a: {  	_ =	shalt  }
0x4b: {  	_ =	shalt  }
0x4c: {  	_ =	shalt  }
0x4d: {  	_ =	shalt  }
0x4e: {  	_ =	shalt  }
0x4f: {  	_ =	shalt  }
0x50: {  	_ =	shalt  }
0x51: {  	_ =	shalt  }
0x52: {  	_ =	shalt  }
0x53: {  	_ =	shalt  }
0x54: {  	_ =	shalt  }
0x55: {  	_ =	shalt  }
0x56: {  	_ =	shalt  }
0x57: {  	_ =	shalt  }
0x58: {  	_ =	shalt  }
0x59: {  	_ =	shalt  }
0x5a: {  	_ =	shalt  }
0x5b: {  	_ =	shalt  }
0x5c: {  	_ =	shalt  }
0x5d: {  	_ =	shalt  }
0x5e: {  	_ =	shalt  }
0x5f: {  	_ =	shalt  }
0x60: {  	_ =	shalt  }
0x61: {  	_ =	shalt  }
0x62: {  	_ =	shalt  }
0x63: {  	_ =	shalt  }
0x64: {  	_ =	shalt  }
0x65: {  	_ =	shalt  }
0x66: {  	_ =	shalt  }
0x67: {  	_ =	shalt  }
0x68: {  	_ =	shalt  }
0x69: {  	_ =	shalt  }
0x6a: {  	_ =	shalt  }
0x6b: {  	_ =	shalt  }
0x6c: {  	_ =	shalt  }
0x6d: {  	_ =	shalt  }
0x6e: {  	_ =	shalt  }
0x6f: {  	_ =	shalt  }
0x70: {  	_ =	shalt  }
0x71: {  	_ =	shalt  }
0x72: {  	_ =	shalt  }
0x73: {  	_ =	shalt  }
0x74: {  	_ =	shalt  }
0x75: {  	_ =	shalt  }
0x76: {  	_ =	shalt  }
0x77: {  	_ =	shalt  }
0x78: {  	_ =	shalt  }
0x79: {  	_ =	shalt  }
0x7a: {  	_ =	shalt  }
0x7b: {  	_ =	shalt  }
0x7c: {  	_ =	shalt  }
0x7d: {  	_ =	shalt  }
0x7e: {  	_ =	shalt  }
0x7f: {  	_ =	shalt  }
0x80: {  	_ =	shalt  }
0x81: {  	_ =	shalt  }
0x82: {  	_ =	shalt  }
0x83: {  	_ =	shalt  }
0x84: {  	_ =	shalt  }
0x85: {  	_ =	shalt  }
0x86: {  	_ =	shalt  }
0x87: {  	_ =	shalt  }
.Lfunc_end0:
.L_simem_size_0:
called_computation_lowered:
.L_overlay_start_0:
0x88: {  	s2 =	sld [smem:$0x3FD9]  }
0x89: {  	s3 =	sld [smem:$0x3FFE];
	_ =	sdelay $0x1  }
0x8a: {  	s1 =	srdreg.scid  }
0x8b: {  	s0 =	sand.u32 $0x1, s1  }
0x8c: {  	s17 =	sshll.u32 s0, $0xA;
	s2 =	sadd.s32 s3, s2  }
0x8d: {  	s2 =	sadd.s32 s2, s17  }
0x8e: {  	[smem:$0x3FC2] =	sst s2  }
0x8f: {  	_ = 	snop  }
0x90: {  	s2 =	sld [smem:$0x3FD0];
	(tm) =	ssettm $0x1  }
0x91: {  	s18 =	sld [smem:$0x3FFB];
	_ =	sdelay $0x3  }
0x92: {  	_ =	strace s18  }
0x93: {  	s3 =	sld [smem:$0x3FFC];
	_ =	sdelay $0x3  }
0x94: {  	_ =	strace s3  }
0x95: {  	s3 =	sld [smem:$0x3FFD];
	_ =	sdelay $0x3  }
0x96: {  	_ =	strace s3  }
0x97: {  	_ =	strace $0x8FFFFFFF  }
0x98: {  	s19 =	sld [smem:$0x3FDB];
	_ =	sdelay $0x1  }
0x99: {  	s4 =	simm.s32 $_scs_section_size  }
0x9a: {  	s5 =	simm.s32 $_size__tile_overlayer_lowered;
	s6 =	simm.s32 $_tile_overlayer_lowered  }
0x9b: {  	s22 =	simm.s32 $0x1BFF;
	s21 =	sshll.u32 s6, $0x1;
	s3 =	sadd.s32 s4, s19  }
0x9c: {  	s7 =	simm.s32 $0x0;
	s20 =	sshll.u32 s5, $0x1;
	s5 =	sadd.s32 s21, s3  }
0x9d: {  	[timem:s7], [sflag:s22] =	dma.local [hbm:s5], s20  }
0x9e: {  	_ =	swait.ge [sflag:s22], s20  }
0x9f: {  	s4 =	ssub.s32 $0x0, s20;
	[sflag:s22] =	ssyncset.done $0x0  }
0xa0: {  	[sflag:s22] =	ssyncadd.s32 s4;
	_ =	sdelay $0x1  }
0xa1: {  	s23 =	simm.s32 $0x1B8B  }
0xa2: {  	_ =	swait.ge [sflag:s23], $0x1  }
0xa3: {  	[sflag:s23] =	ssyncset.done $0x0  }
0xa4: {  	s25 =	simm.s32 $0x1B8E;
	s24 =	sld [smem:$0x3FFE];
	[sflag:s23] =	ssyncadd.s32 $0xFFFFFFFF  }
0xa5: {  	s26 =	simm.s32 $execute0_lowered;
	[smem:$0x3FD2] =	sst s25  }
0xa6: {  	s5 =	sshll.u32 s26, $0x1;
	_ =	strace $0x80000046;
	[dreg:$0x1] =	wrdreg $0xFFFFFFFF  }
0xa7: {  	s28 =	simm.s32 $_size_execute0_lowered;
	s3 =	sadd.s32 s3, s5;
	[dreg:$0x0] =	wrdreg $0x0  }
0xa8: {  	s5 =	sshll.u32 s28, $0x1;
	[dreg:$0x2] =	wrdreg s3  }
0xa9: {  	[dreg:$0x3] =	wrdreg s5  }
0xaa: {  	[dreg:$0x4] =	wrdreg $0xC0  }
0xab: {  	_ =	task [dreg:s7], $0x5FFFF  }
0xac: {  	[dreg:$0x1] =	wrdreg $0xFFFFFFFF  }
0xad: {  	[dreg:$0x0] =	wrdreg $0x60  }
0xae: {  	[dreg:$0x2] =	wrdreg s2  }
0xaf: {  	[dreg:$0x3] =	wrdreg s24  }
0xb0: {  	[dreg:$0x4] =	wrdreg $0x2B900  }
0xb1: {  	[dreg:$0x5] =	wrdreg $0x9  }
0xb2: {  	_ =	task.clear_ibuf [dreg:s7], $0x6FFFF;
	_ =	strace $0x90000046  }
0xb3: {  	s29 =	simm.s32 $0x9;
	_ =	strace $0x80000048  }
0xb4: {  	_ =	swait.ge [sflag:s29], $0x1  }
0xb5: {  	[sflag:s29] =	ssyncadd.s32 $0xFFFFFFFF  }
0xb6: {  	_ =	strace $0x90000048  }
0xb7: {  	_ =	sfence  }
0xb8: {  	s30 =	sld [smem:$0x0];
	_ =	sdelay $0x2  }
0xb9: {  	s31 =	sshll.u32 s1, $0xD;
	s1 =	sshrl.u32 s1, $0x2  }
0xba: {  	s3 =	sand.u32 $0x4000, s31;
	s1 =	sadd.s32 s1, s30  }
0xbb: {  	s0 =	sor.u32 s3, s0;
	s1 =	sshll.u32 s1, $0x11  }
0xbc: {  	s0 =	sor.u32 s1, s0  }
0xbd: {  	s0 =	sadd.s32 $0x8F2B, s0  }
0xbe: {  	[sflag:s0] =	ssyncadd.remote.s32 $0x1  }
0xbf: {  	_ =	sfence.sel $0xFFFF  }
0xc0: {  	[dreg:$0x0] =	wrdreg $0xFFFFFFFF;
	(pc) =	sbr.abs _section_cstart, $3  }
0xc1: {  	[dreg:$0x1] =	wrdreg $0xFFFFFFFF  }
0xc2: {  	_ =	task.clear_ibuf [dreg:s7], $0x2FFFF;
	_ =	strace $0x9FFFFFFF  }
0xc3: {  	(tm) =	ssettm $0x7FFFFFFF  }
tec
execute0_lowered:
.L_overlay_start_1:
0x0: {  	(tag) =	ssettag $0x1  }
0x1: {  	s4 =	rddreg [dreg:$0x0]  }
0x2: {  	s30 =	rddreg [dreg:$0x1];
	s2 =	simm.s32 $0x0  }
0x3: {  	v0 =	vimm.f32 $0.0e+00;
	[smem:$0x7FF] =	sst s2  }
0x4: {  	s1 =	rddreg [dreg:$0x2];
	_ =	strace $0x80000047;
	[tilespmem:$0x2930] =	vst v0  }
0x5: {  	[tilespmem:$0x2940] =	vst v0  }
0x6: {  	[tilespmem:$0x2950] =	vst v0  }
0x7: {  	[tilespmem:$0x2960] =	vst v0  }
0x8: {  	[tilespmem:$0x2970] =	vst v0  }
0x9: {  	[tilespmem:$0x2980] =	vst v0  }
0xa: {  	[tilespmem:$0x2990] =	vst v0  }
0xb: {  	[tilespmem:$0x29A0] =	vst v0  }
0xc: {  	[tilespmem:$0x29B0] =	vst v0  }
0xd: {  	[tilespmem:$0x29C0] =	vst v0  }
0xe: {  	[tilespmem:$0x29D0] =	vst v0  }
0xf: {  	[tilespmem:$0x29E0] =	vst v0  }
0x10: {  	[tilespmem:$0x29F0] =	vst v0  }
0x11: {  	[tilespmem:$0x2A00] =	vst v0  }
0x12: {  	[tilespmem:$0x2A10] =	vst v0  }
0x13: {  	[tilespmem:$0x2A20] =	vst v0  }
0x14: {  	[tilespmem:$0x2A30] =	vst v0  }
0x15: {  	[tilespmem:$0x2A40] =	vst v0  }
0x16: {  	[tilespmem:$0x2A50] =	vst v0  }
0x17: {  	[tilespmem:$0x2A60] =	vst v0  }
0x18: {  	[tilespmem:$0x2A70] =	vst v0  }
0x19: {  	[tilespmem:$0x2A80] =	vst v0  }
0x1a: {  	[tilespmem:$0x2A90] =	vst v0  }
0x1b: {  	[tilespmem:$0x2AA0] =	vst v0  }
0x1c: {  	[tilespmem:$0x2AB0] =	vst v0  }
0x1d: {  	[tilespmem:$0x2AC0] =	vst v0  }
0x1e: {  	[tilespmem:$0x2AD0] =	vst v0  }
0x1f: {  	[tilespmem:$0x2AE0] =	vst v0  }
0x20: {  	[tilespmem:$0x2AF0] =	vst v0  }
0x21: {  	[tilespmem:$0x2B00] =	vst v0  }
0x22: {  	[tilespmem:$0x2B10] =	vst v0  }
0x23: {  	[tilespmem:$0x2B20] =	vst v0  }
0x24: {  	[tilespmem:$0x2B30] =	vst v0  }
0x25: {  	[tilespmem:$0x2B40] =	vst v0  }
0x26: {  	v1 =	vimm.f32 $1.000000000e+00;
	[tilespmem:$0x2910] =	vst v0  }
0x27: {  	[tilespmem:$0x2900] =	vst v1  }
0x28: {  	[tilespmem:$0x28F0] =	vst v1  }
0x29: {  	[tilespmem:$0x28E0] =	vst v1  }
0x2a: {  	[tilespmem:$0x28D0] =	vst v1  }
0x2b: {  	[tilespmem:$0x28C0] =	vst v1  }
0x2c: {  	[tilespmem:$0x28B0] =	vst v1  }
0x2d: {  	[tilespmem:$0x28A0] =	vst v1  }
0x2e: {  	[tilespmem:$0x2890] =	vst v1  }
0x2f: {  	[tilespmem:$0x2880] =	vst v1  }
0x30: {  	[tilespmem:$0x2870] =	vst v1  }
0x31: {  	[tilespmem:$0x2860] =	vst v1  }
0x32: {  	[tilespmem:$0x2850] =	vst v1  }
0x33: {  	[tilespmem:$0x2840] =	vst v1  }
0x34: {  	[tilespmem:$0x2830] =	vst v1  }
0x35: {  	[tilespmem:$0x2820] =	vst v1  }
0x36: {  	[tilespmem:$0x2810] =	vst v1  }
0x37: {  	[tilespmem:$0x2800] =	vst v1  }
0x38: {  	[tilespmem:$0x27F0] =	vst v1  }
0x39: {  	[tilespmem:$0x27E0] =	vst v1  }
0x3a: {  	[tilespmem:$0x27D0] =	vst v1  }
0x3b: {  	[tilespmem:$0x27C0] =	vst v1  }
0x3c: {  	[tilespmem:$0x27B0] =	vst v1  }
0x3d: {  	[tilespmem:$0x27A0] =	vst v1  }
0x3e: {  	[tilespmem:$0x2790] =	vst v1  }
0x3f: {  	[tilespmem:$0x2780] =	vst v1  }
0x40: {  	[tilespmem:$0x2770] =	vst v1  }
0x41: {  	[tilespmem:$0x2760] =	vst v1  }
0x42: {  	[tilespmem:$0x2750] =	vst v1  }
0x43: {  	[tilespmem:$0x2740] =	vst v1  }
0x44: {  	s0 =	srdreg.scid;
	s3 =	stileid.u32;
	[tilespmem:$0x2730] =	vst v1  }
0x45: {  	s31 =	sand.u32 $0x1, s0;
	s26 =	sshll.u32 s3, $0x1;
	[tilespmem:$0x2720] =	vst v1  }
0x46: {  	s0 =	sor.u32 s31, s26;
	[tilespmem:$0x2710] =	vst v1  }
0x47: {  	[tilespmem:$0x2B80] =	vst v0;
	s5 =	smul.u32 $0x2710, s0  }
0x48: {  	[tilespmem:$0x2B70] =	vst v0  }
0x49: {  	[tilespmem:$0x2B60] =	vst v0;
	s0 =	smul.u32 $0x280, s3;
	s5 =	sshrl.u32 s5, $0x3  }
0x4a: {  	[tilespmem:$0x2B50] =	vst v0;
	s7 =	sadd.s32 s4, s5  }
0x4b: {  	s6 =	simm.s32 $0x2910;
	[tilespmem:$0x2920] =	vst v0;
	s4 =	sadd.s32 s0, s1;
	s5 =	sadd.s32 $0x9C40, s7  }
0x4c: {  	[spmem:s4] =	stream.linear.scatter [tilespmem:s6], [sflag:$0x1], $0x280, $0x38;
	[tilespmem:$0x2E10] =	vst v63  }
0x4d: {  	[dreg:$0x4] =	wrdreg s5;
	s5 =	simm.s32 $0x1  }
0x4e: {  	_ =	swait.ge [sflag:s5], $0x280  }
0x4f: {  	[sflag:s5] =	ssyncset.done $0x0  }
0x50: {  	[sflag:s5] =	ssyncadd.s32 $0xFFFFFD80  }
0x51: {  	[bflag:$0x0] =	sbarrier.arrive $0xFFFF  }
0x52: {  	s8 =	rddreg [dreg:$0x4]  }
0x53: {  	[tilespmem:s2], [sflag:$0x1] =	stream.linear.gather [hbm4b:s8+s2], $0x2600, $0x38;
	[tilespmem:$0x2E10] =	vst v63  }
0x54: {  	_ =	swait.ge [sflag:s5], $0x2600  }
0x55: {  	[sflag:s5] =	ssyncset.done $0x0  }
0x56: {  	s7 =	sadd.s32 $0xA100, s7;
	s8 =	simm.s32 $0x2600;
	[sflag:s5] =	ssyncadd.s32 $0xFFFFDA00  }
0x57: {  	[tilespmem:s8], [sflag:$0x1] =	stream.linear.gather [hbm4b:s7+s2], $0x110, $0x38;
	[tilespmem:$0x2E10] =	vst v63  }
0x58: {  	_ =	swait.ge [sflag:s5], $0x110  }
0x59: {  	[sflag:s5] =	ssyncset.done $0x0  }
0x5a: {  	s9 =	simm.s32 $0x200;
	s10 =	simm.s32 $0x2710;
	[sflag:s5] =	ssyncadd.s32 $0xFFFFFEF0  }
0x5b: {  	[spmem:s1] =	stream.indirect.scatter.add.f32 [tilespmem:s10], [sflag:$0x1], $0x1, s2, s9, $0xb8;
	[tilespmem:$0x2E10] =	vst v63  }
0x5c: {  	_ =	swait.ge [sflag:s5], $0x200  }
0x5d: {  	[sflag:s5] =	ssyncset.done $0x0  }
0x5e: {  	[sflag:s5] =	ssyncadd.s32 $0xFFFFFE00  }
0x5f: {  	[spmem:s1] =	stream.indirect.scatter.add.f32 [tilespmem:s10], [sflag:$0x1], $0x1, s9, s9, $0xb8;
	[tilespmem:$0x2E10] =	vst v63  }
0x60: {  	_ =	swait.ge [sflag:s5], $0x200  }
0x61: {  	[sflag:s5] =	ssyncset.done $0x0  }
0x62: {  	s11 =	simm.s32 $0x400;
	[sflag:s5] =	ssyncadd.s32 $0xFFFFFE00  }
0x63: {  	[spmem:s1] =	stream.indirect.scatter.add.f32 [tilespmem:s10], [sflag:$0x1], $0x1, s11, s9, $0xb8;
	[tilespmem:$0x2E10] =	vst v63  }
0x64: {  	_ =	swait.ge [sflag:s5], $0x200  }
0x65: {  	[sflag:s5] =	ssyncset.done $0x0  }
0x66: {  	s12 =	simm.s32 $0x600;
	[sflag:s5] =	ssyncadd.s32 $0xFFFFFE00  }
0x67: {  	[spmem:s1] =	stream.indirect.scatter.add.f32 [tilespmem:s10], [sflag:$0x1], $0x1, s12, s9, $0xb8;
	[tilespmem:$0x2E10] =	vst v63  }
0x68: {  	_ =	swait.ge [sflag:s5], $0x200  }
0x69: {  	[sflag:s5] =	ssyncset.done $0x0  }
0x6a: {  	s13 =	simm.s32 $0x800;
	[sflag:s5] =	ssyncadd.s32 $0xFFFFFE00  }
0x6b: {  	[spmem:s1] =	stream.indirect.scatter.add.f32 [tilespmem:s10], [sflag:$0x1], $0x1, s13, s9, $0xb8;
	[tilespmem:$0x2E10] =	vst v63  }
0x6c: {  	_ =	swait.ge [sflag:s5], $0x200  }
0x6d: {  	[sflag:s5] =	ssyncset.done $0x0  }
0x6e: {  	s14 =	simm.s32 $0xA00;
	[sflag:s5] =	ssyncadd.s32 $0xFFFFFE00  }
0x6f: {  	[spmem:s1] =	stream.indirect.scatter.add.f32 [tilespmem:s10], [sflag:$0x1], $0x1, s14, s9, $0xb8;
	[tilespmem:$0x2E10] =	vst v63  }
0x70: {  	_ =	swait.ge [sflag:s5], $0x200  }
0x71: {  	[sflag:s5] =	ssyncset.done $0x0  }
0x72: {  	s15 =	simm.s32 $0xC00;
	[sflag:s5] =	ssyncadd.s32 $0xFFFFFE00  }
0x73: {  	[spmem:s1] =	stream.indirect.scatter.add.f32 [tilespmem:s10], [sflag:$0x1], $0x1, s15, s9, $0xb8;
	[tilespmem:$0x2E10] =	vst v63  }
0x74: {  	_ =	swait.ge [sflag:s5], $0x200  }
0x75: {  	[sflag:s5] =	ssyncset.done $0x0  }
0x76: {  	s16 =	simm.s32 $0xE00;
	[sflag:s5] =	ssyncadd.s32 $0xFFFFFE00  }
0x77: {  	[spmem:s1] =	stream.indirect.scatter.add.f32 [tilespmem:s10], [sflag:$0x1], $0x1, s16, s9, $0xb8;
	[tilespmem:$0x2E10] =	vst v63  }
0x78: {  	_ =	swait.ge [sflag:s5], $0x200  }
0x79: {  	[sflag:s5] =	ssyncset.done $0x0  }
0x7a: {  	s17 =	simm.s32 $0x1000;
	[sflag:s5] =	ssyncadd.s32 $0xFFFFFE00  }
0x7b: {  	[spmem:s1] =	stream.indirect.scatter.add.f32 [tilespmem:s10], [sflag:$0x1], $0x1, s17, s9, $0xb8;
	[tilespmem:$0x2E10] =	vst v63  }
0x7c: {  	_ =	swait.ge [sflag:s5], $0x200  }
0x7d: {  	[sflag:s5] =	ssyncset.done $0x0  }
0x7e: {  	s18 =	simm.s32 $0x1200;
	[sflag:s5] =	ssyncadd.s32 $0xFFFFFE00  }
0x7f: {  	[spmem:s1] =	stream.indirect.scatter.add.f32 [tilespmem:s10], [sflag:$0x1], $0x1, s18, s9, $0xb8;
	[tilespmem:$0x2E10] =	vst v63  }
0x80: {  	_ =	swait.ge [sflag:s5], $0x200  }
0x81: {  	[sflag:s5] =	ssyncset.done $0x0  }
0x82: {  	s19 =	simm.s32 $0x1400;
	[sflag:s5] =	ssyncadd.s32 $0xFFFFFE00  }
0x83: {  	[spmem:s1] =	stream.indirect.scatter.add.f32 [tilespmem:s10], [sflag:$0x1], $0x1, s19, s9, $0xb8;
	[tilespmem:$0x2E10] =	vst v63  }
0x84: {  	_ =	swait.ge [sflag:s5], $0x200  }
0x85: {  	[sflag:s5] =	ssyncset.done $0x0  }
0x86: {  	s20 =	simm.s32 $0x1600;
	[sflag:s5] =	ssyncadd.s32 $0xFFFFFE00  }
0x87: {  	[spmem:s1] =	stream.indirect.scatter.add.f32 [tilespmem:s10], [sflag:$0x1], $0x1, s20, s9, $0xb8;
	[tilespmem:$0x2E10] =	vst v63  }
0x88: {  	_ =	swait.ge [sflag:s5], $0x200  }
0x89: {  	[sflag:s5] =	ssyncset.done $0x0  }
0x8a: {  	s21 =	simm.s32 $0x1800;
	[sflag:s5] =	ssyncadd.s32 $0xFFFFFE00  }
0x8b: {  	[spmem:s1] =	stream.indirect.scatter.add.f32 [tilespmem:s10], [sflag:$0x1], $0x1, s21, s9, $0xb8;
	[tilespmem:$0x2E10] =	vst v63  }
0x8c: {  	_ =	swait.ge [sflag:s5], $0x200  }
0x8d: {  	[sflag:s5] =	ssyncset.done $0x0  }
0x8e: {  	s22 =	simm.s32 $0x1A00;
	[sflag:s5] =	ssyncadd.s32 $0xFFFFFE00  }
0x8f: {  	[spmem:s1] =	stream.indirect.scatter.add.f32 [tilespmem:s10], [sflag:$0x1], $0x1, s22, s9, $0xb8;
	[tilespmem:$0x2E10] =	vst v63  }
0x90: {  	_ =	swait.ge [sflag:s5], $0x200  }
0x91: {  	[sflag:s5] =	ssyncset.done $0x0  }
0x92: {  	s23 =	simm.s32 $0x1C00;
	[sflag:s5] =	ssyncadd.s32 $0xFFFFFE00  }
0x93: {  	[spmem:s1] =	stream.indirect.scatter.add.f32 [tilespmem:s10], [sflag:$0x1], $0x1, s23, s9, $0xb8;
	[tilespmem:$0x2E10] =	vst v63  }
0x94: {  	_ =	swait.ge [sflag:s5], $0x200  }
0x95: {  	[sflag:s5] =	ssyncset.done $0x0  }
0x96: {  	s24 =	simm.s32 $0x1E00;
	[sflag:s5] =	ssyncadd.s32 $0xFFFFFE00  }
0x97: {  	[spmem:s1] =	stream.indirect.scatter.add.f32 [tilespmem:s10], [sflag:$0x1], $0x1, s24, s9, $0xb8;
	[tilespmem:$0x2E10] =	vst v63  }
0x98: {  	_ =	swait.ge [sflag:s5], $0x200  }
0x99: {  	[sflag:s5] =	ssyncset.done $0x0  }
0x9a: {  	s25 =	simm.s32 $0x2000;
	[sflag:s5] =	ssyncadd.s32 $0xFFFFFE00  }
0x9b: {  	[spmem:s1] =	stream.indirect.scatter.add.f32 [tilespmem:s10], [sflag:$0x1], $0x1, s25, s9, $0xb8;
	[tilespmem:$0x2E10] =	vst v63  }
0x9c: {  	_ =	swait.ge [sflag:s5], $0x200  }
0x9d: {  	[sflag:s5] =	ssyncset.done $0x0  }
0x9e: {  	s26 =	simm.s32 $0x2200;
	[sflag:s5] =	ssyncadd.s32 $0xFFFFFE00  }
0x9f: {  	[spmem:s1] =	stream.indirect.scatter.add.f32 [tilespmem:s10], [sflag:$0x1], $0x1, s26, s9, $0xb8;
	[tilespmem:$0x2E10] =	vst v63  }
0xa0: {  	_ =	swait.ge [sflag:s5], $0x200  }
0xa1: {  	[sflag:s5] =	ssyncset.done $0x0  }
0xa2: {  	s28 =	simm.s32 $0x2400;
	[sflag:s5] =	ssyncadd.s32 $0xFFFFFE00  }
0xa3: {  	[spmem:s1] =	stream.indirect.scatter.add.f32 [tilespmem:s10], [sflag:$0x1], $0x1, s28, s9, $0xb8;
	[tilespmem:$0x2E10] =	vst v63  }
0xa4: {  	_ =	swait.ge [sflag:s5], $0x200  }
0xa5: {  	[sflag:s5] =	ssyncset.done $0x0  }
0xa6: {  	s29 =	simm.s32 $0x110;
	s3 =	smul.u32 $0x2800, s31;
	[sflag:s5] =	ssyncadd.s32 $0xFFFFFE00  }
0xa7: {  	[spmem:s1] =	stream.indirect.scatter.add.f32 [tilespmem:s10], [sflag:$0x1], $0x1, s8, s29, $0xb8;
	[tilespmem:$0x2E10] =	vst v63  }
0xa8: {  	s0 =	sadd.s32 s0, s3;
	s3 =	ssub.s32 $0x2, s31;
	_ =	swait.ge [sflag:s5], $0x110  }
0xa9: {  	s31 =	sshrl.u32 s3, $0x1;
	[sflag:s5] =	ssyncset.done $0x0  }
0xaa: {  	s3 =	ssub.s32 s3, s31;
	[sflag:s5] =	ssyncadd.s32 $0xFFFFFEF0  }
0xab: {  	s3 =	smax.u32 s3, $0x1;
	[bflag:$0x0] =	sbarrier.arrive $0xFFFF  }
0xac: {  	[tilespmem:s6], [sflag:$0x1] =	stream.linear.gather [spmem:s4], $0x280, $0x38;
	[tilespmem:$0x2E10] =	vst v63  }
0xad: {  	s0 =	sshrl.u32 s0, $0x3;
	p0 =	sne.s32 s3, $0x1;
	_ =	swait.ge [sflag:s5], $0x280  }
.Ltmp0:
0xae: {  	s0 =	sadd.s32 s0, s30;
	[sflag:s5] =	ssyncset.done $0x0;
	(pc) =	sbr.rel @!p0 .LBB2_2-.Ltmp0, $4  }
0xaf: {  	s30 =	sadd.s32 $0x1A00, s0;
	[sflag:s5] =	ssyncadd.s32 $0xFFFFFD80  }
0xb0: {  	[hbm4b:s30+s2] =	stream.linear.scatter [tilespmem:s6], [sflag:$0x1], $0x280, $0x38;
	[tilespmem:$0x2E10] =	vst v63  }
0xb1: {  	_ =	swait.ge [sflag:s5], $0x280  }
0xb2: {  	s31 =	sadd.s32 $0xFFFFFFFF, s3;
	[sflag:s5] =	ssyncset.done $0x0  }
.LBB2_1:
0xb3: {  	[sflag:s5] =	ssyncadd.s32 $0xFFFFFD80  }
0xb4: {  	[tilespmem:$0x2930] =	vst v0  }
0xb5: {  	[tilespmem:$0x2940] =	vst v0  }
0xb6: {  	[tilespmem:$0x2950] =	vst v0  }
0xb7: {  	[tilespmem:$0x2960] =	vst v0  }
0xb8: {  	[tilespmem:$0x2970] =	vst v0  }
0xb9: {  	[tilespmem:$0x2980] =	vst v0  }
0xba: {  	[tilespmem:$0x2990] =	vst v0  }
0xbb: {  	[tilespmem:$0x29A0] =	vst v0  }
0xbc: {  	[tilespmem:$0x29B0] =	vst v0  }
0xbd: {  	[tilespmem:$0x29C0] =	vst v0  }
0xbe: {  	[tilespmem:$0x29D0] =	vst v0  }
0xbf: {  	[tilespmem:$0x29E0] =	vst v0  }
0xc0: {  	[tilespmem:$0x29F0] =	vst v0  }
0xc1: {  	[tilespmem:$0x2A00] =	vst v0  }
0xc2: {  	[tilespmem:$0x2A10] =	vst v0  }
0xc3: {  	[tilespmem:$0x2A20] =	vst v0  }
0xc4: {  	[tilespmem:$0x2A30] =	vst v0  }
0xc5: {  	[tilespmem:$0x2A40] =	vst v0  }
0xc6: {  	[tilespmem:$0x2A50] =	vst v0  }
0xc7: {  	[tilespmem:$0x2A60] =	vst v0  }
0xc8: {  	[tilespmem:$0x2A70] =	vst v0  }
0xc9: {  	[tilespmem:$0x2A80] =	vst v0  }
0xca: {  	[tilespmem:$0x2A90] =	vst v0  }
0xcb: {  	[tilespmem:$0x2AA0] =	vst v0  }
0xcc: {  	[tilespmem:$0x2AB0] =	vst v0  }
0xcd: {  	[tilespmem:$0x2AC0] =	vst v0  }
0xce: {  	[tilespmem:$0x2AD0] =	vst v0  }
0xcf: {  	[tilespmem:$0x2AE0] =	vst v0  }
0xd0: {  	[tilespmem:$0x2AF0] =	vst v0  }
0xd1: {  	[tilespmem:$0x2B00] =	vst v0  }
0xd2: {  	[tilespmem:$0x2B10] =	vst v0  }
0xd3: {  	[tilespmem:$0x2B20] =	vst v0  }
0xd4: {  	[tilespmem:$0x2B30] =	vst v0  }
0xd5: {  	[tilespmem:$0x2B40] =	vst v0  }
0xd6: {  	[tilespmem:$0x2910] =	vst v0  }
0xd7: {  	[tilespmem:$0x2900] =	vst v1  }
0xd8: {  	[tilespmem:$0x28F0] =	vst v1  }
0xd9: {  	[tilespmem:$0x28E0] =	vst v1  }
0xda: {  	[tilespmem:$0x28D0] =	vst v1  }
0xdb: {  	[tilespmem:$0x28C0] =	vst v1  }
0xdc: {  	[tilespmem:$0x28B0] =	vst v1  }
0xdd: {  	[tilespmem:$0x28A0] =	vst v1  }
0xde: {  	[tilespmem:$0x2890] =	vst v1  }
0xdf: {  	[tilespmem:$0x2880] =	vst v1  }
0xe0: {  	[tilespmem:$0x2870] =	vst v1  }
0xe1: {  	[tilespmem:$0x2860] =	vst v1  }
0xe2: {  	[tilespmem:$0x2850] =	vst v1  }
0xe3: {  	[tilespmem:$0x2840] =	vst v1  }
0xe4: {  	[tilespmem:$0x2830] =	vst v1  }
0xe5: {  	[tilespmem:$0x2820] =	vst v1  }
0xe6: {  	[tilespmem:$0x2810] =	vst v1  }
0xe7: {  	[tilespmem:$0x2800] =	vst v1  }
0xe8: {  	[tilespmem:$0x27F0] =	vst v1  }
0xe9: {  	[tilespmem:$0x27E0] =	vst v1  }
0xea: {  	[tilespmem:$0x27D0] =	vst v1  }
0xeb: {  	[tilespmem:$0x27C0] =	vst v1  }
0xec: {  	[tilespmem:$0x27B0] =	vst v1  }
0xed: {  	[tilespmem:$0x27A0] =	vst v1  }
0xee: {  	[tilespmem:$0x2790] =	vst v1  }
0xef: {  	[tilespmem:$0x2780] =	vst v1  }
0xf0: {  	[tilespmem:$0x2770] =	vst v1  }
0xf1: {  	[tilespmem:$0x2760] =	vst v1  }
0xf2: {  	[tilespmem:$0x2750] =	vst v1  }
0xf3: {  	[tilespmem:$0x2740] =	vst v1  }
0xf4: {  	[tilespmem:$0x2730] =	vst v1  }
0xf5: {  	[tilespmem:$0x2720] =	vst v1  }
0xf6: {  	[tilespmem:$0x2710] =	vst v1  }
0xf7: {  	[tilespmem:$0x2B80] =	vst v0  }
0xf8: {  	[tilespmem:$0x2B70] =	vst v0  }
0xf9: {  	[tilespmem:$0x2B60] =	vst v0  }
0xfa: {  	[tilespmem:$0x2B50] =	vst v0  }
0xfb: {  	[tilespmem:$0x2920] =	vst v0  }
0xfc: {  	[spmem:s4] =	stream.linear.scatter [tilespmem:s6], [sflag:$0x1], $0x280, $0x38;
	[tilespmem:$0x2E10] =	vst v63  }
0xfd: {  	_ =	swait.ge [sflag:s5], $0x280  }
0xfe: {  	[sflag:s5] =	ssyncset.done $0x0  }
0xff: {  	[sflag:s5] =	ssyncadd.s32 $0xFFFFFD80  }
0x100: {  	[bflag:$0x0] =	sbarrier.arrive $0xFFFF  }
0x101: {  	s0 =	rddreg [dreg:$0x4]  }
0x102: {  	[tilespmem:s2], [sflag:$0x1] =	stream.linear.gather [hbm4b:s0+s2], $0x2600, $0x38;
	[tilespmem:$0x2E10] =	vst v63  }
0x103: {  	_ =	swait.ge [sflag:s5], $0x2600  }
0x104: {  	[sflag:s5] =	ssyncset.done $0x0  }
0x105: {  	[sflag:s5] =	ssyncadd.s32 $0xFFFFDA00  }
0x106: {  	[tilespmem:s8], [sflag:$0x1] =	stream.linear.gather [hbm4b:s7+s2], $0x110, $0x38;
	[tilespmem:$0x2E10] =	vst v63  }
0x107: {  	_ =	swait.ge [sflag:s5], $0x110  }
0x108: {  	[sflag:s5] =	ssyncset.done $0x0  }
0x109: {  	[sflag:s5] =	ssyncadd.s32 $0xFFFFFEF0  }
0x10a: {  	[spmem:s1] =	stream.indirect.scatter.add.f32 [tilespmem:s10], [sflag:$0x1], $0x1, s2, s9, $0xb8;
	[tilespmem:$0x2E10] =	vst v63  }
0x10b: {  	_ =	swait.ge [sflag:s5], $0x200  }
0x10c: {  	[sflag:s5] =	ssyncset.done $0x0  }
0x10d: {  	[sflag:s5] =	ssyncadd.s32 $0xFFFFFE00  }
0x10e: {  	[spmem:s1] =	stream.indirect.scatter.add.f32 [tilespmem:s10], [sflag:$0x1], $0x1, s9, s9, $0xb8;
	[tilespmem:$0x2E10] =	vst v63  }
0x10f: {  	_ =	swait.ge [sflag:s5], $0x200  }
0x110: {  	[sflag:s5] =	ssyncset.done $0x0  }
0x111: {  	[sflag:s5] =	ssyncadd.s32 $0xFFFFFE00  }
0x112: {  	[spmem:s1] =	stream.indirect.scatter.add.f32 [tilespmem:s10], [sflag:$0x1], $0x1, s11, s9, $0xb8;
	[tilespmem:$0x2E10] =	vst v63  }
0x113: {  	_ =	swait.ge [sflag:s5], $0x200  }
0x114: {  	[sflag:s5] =	ssyncset.done $0x0  }
0x115: {  	[sflag:s5] =	ssyncadd.s32 $0xFFFFFE00  }
0x116: {  	[spmem:s1] =	stream.indirect.scatter.add.f32 [tilespmem:s10], [sflag:$0x1], $0x1, s12, s9, $0xb8;
	[tilespmem:$0x2E10] =	vst v63  }
0x117: {  	_ =	swait.ge [sflag:s5], $0x200  }
0x118: {  	[sflag:s5] =	ssyncset.done $0x0  }
0x119: {  	[sflag:s5] =	ssyncadd.s32 $0xFFFFFE00  }
0x11a: {  	[spmem:s1] =	stream.indirect.scatter.add.f32 [tilespmem:s10], [sflag:$0x1], $0x1, s13, s9, $0xb8;
	[tilespmem:$0x2E10] =	vst v63  }
0x11b: {  	_ =	swait.ge [sflag:s5], $0x200  }
0x11c: {  	[sflag:s5] =	ssyncset.done $0x0  }
0x11d: {  	[sflag:s5] =	ssyncadd.s32 $0xFFFFFE00  }
0x11e: {  	[spmem:s1] =	stream.indirect.scatter.add.f32 [tilespmem:s10], [sflag:$0x1], $0x1, s14, s9, $0xb8;
	[tilespmem:$0x2E10] =	vst v63  }
0x11f: {  	_ =	swait.ge [sflag:s5], $0x200  }
0x120: {  	[sflag:s5] =	ssyncset.done $0x0  }
0x121: {  	[sflag:s5] =	ssyncadd.s32 $0xFFFFFE00  }
0x122: {  	[spmem:s1] =	stream.indirect.scatter.add.f32 [tilespmem:s10], [sflag:$0x1], $0x1, s15, s9, $0xb8;
	[tilespmem:$0x2E10] =	vst v63  }
0x123: {  	_ =	swait.ge [sflag:s5], $0x200  }
0x124: {  	[sflag:s5] =	ssyncset.done $0x0  }
0x125: {  	[sflag:s5] =	ssyncadd.s32 $0xFFFFFE00  }
0x126: {  	[spmem:s1] =	stream.indirect.scatter.add.f32 [tilespmem:s10], [sflag:$0x1], $0x1, s16, s9, $0xb8;
	[tilespmem:$0x2E10] =	vst v63  }
0x127: {  	_ =	swait.ge [sflag:s5], $0x200  }
0x128: {  	[sflag:s5] =	ssyncset.done $0x0  }
0x129: {  	[sflag:s5] =	ssyncadd.s32 $0xFFFFFE00  }
0x12a: {  	[spmem:s1] =	stream.indirect.scatter.add.f32 [tilespmem:s10], [sflag:$0x1], $0x1, s17, s9, $0xb8;
	[tilespmem:$0x2E10] =	vst v63  }
0x12b: {  	_ =	swait.ge [sflag:s5], $0x200  }
0x12c: {  	[sflag:s5] =	ssyncset.done $0x0  }
0x12d: {  	[sflag:s5] =	ssyncadd.s32 $0xFFFFFE00  }
0x12e: {  	[spmem:s1] =	stream.indirect.scatter.add.f32 [tilespmem:s10], [sflag:$0x1], $0x1, s18, s9, $0xb8;
	[tilespmem:$0x2E10] =	vst v63  }
0x12f: {  	_ =	swait.ge [sflag:s5], $0x200  }
0x130: {  	[sflag:s5] =	ssyncset.done $0x0  }
0x131: {  	[sflag:s5] =	ssyncadd.s32 $0xFFFFFE00  }
0x132: {  	[spmem:s1] =	stream.indirect.scatter.add.f32 [tilespmem:s10], [sflag:$0x1], $0x1, s19, s9, $0xb8;
	[tilespmem:$0x2E10] =	vst v63  }
0x133: {  	_ =	swait.ge [sflag:s5], $0x200  }
0x134: {  	[sflag:s5] =	ssyncset.done $0x0  }
0x135: {  	[sflag:s5] =	ssyncadd.s32 $0xFFFFFE00  }
0x136: {  	[spmem:s1] =	stream.indirect.scatter.add.f32 [tilespmem:s10], [sflag:$0x1], $0x1, s20, s9, $0xb8;
	[tilespmem:$0x2E10] =	vst v63  }
0x137: {  	_ =	swait.ge [sflag:s5], $0x200  }
0x138: {  	[sflag:s5] =	ssyncset.done $0x0  }
0x139: {  	[sflag:s5] =	ssyncadd.s32 $0xFFFFFE00  }
0x13a: {  	[spmem:s1] =	stream.indirect.scatter.add.f32 [tilespmem:s10], [sflag:$0x1], $0x1, s21, s9, $0xb8;
	[tilespmem:$0x2E10] =	vst v63  }
0x13b: {  	_ =	swait.ge [sflag:s5], $0x200  }
0x13c: {  	[sflag:s5] =	ssyncset.done $0x0  }
0x13d: {  	[sflag:s5] =	ssyncadd.s32 $0xFFFFFE00  }
0x13e: {  	[spmem:s1] =	stream.indirect.scatter.add.f32 [tilespmem:s10], [sflag:$0x1], $0x1, s22, s9, $0xb8;
	[tilespmem:$0x2E10] =	vst v63  }
0x13f: {  	_ =	swait.ge [sflag:s5], $0x200  }
0x140: {  	[sflag:s5] =	ssyncset.done $0x0  }
0x141: {  	[sflag:s5] =	ssyncadd.s32 $0xFFFFFE00  }
0x142: {  	[spmem:s1] =	stream.indirect.scatter.add.f32 [tilespmem:s10], [sflag:$0x1], $0x1, s23, s9, $0xb8;
	[tilespmem:$0x2E10] =	vst v63  }
0x143: {  	_ =	swait.ge [sflag:s5], $0x200  }
0x144: {  	[sflag:s5] =	ssyncset.done $0x0  }
0x145: {  	[sflag:s5] =	ssyncadd.s32 $0xFFFFFE00  }
0x146: {  	[spmem:s1] =	stream.indirect.scatter.add.f32 [tilespmem:s10], [sflag:$0x1], $0x1, s24, s9, $0xb8;
	[tilespmem:$0x2E10] =	vst v63  }
0x147: {  	_ =	swait.ge [sflag:s5], $0x200  }
0x148: {  	[sflag:s5] =	ssyncset.done $0x0  }
0x149: {  	[sflag:s5] =	ssyncadd.s32 $0xFFFFFE00  }
0x14a: {  	[spmem:s1] =	stream.indirect.scatter.add.f32 [tilespmem:s10], [sflag:$0x1], $0x1, s25, s9, $0xb8;
	[tilespmem:$0x2E10] =	vst v63  }
0x14b: {  	_ =	swait.ge [sflag:s5], $0x200  }
0x14c: {  	[sflag:s5] =	ssyncset.done $0x0  }
0x14d: {  	[sflag:s5] =	ssyncadd.s32 $0xFFFFFE00  }
0x14e: {  	[spmem:s1] =	stream.indirect.scatter.add.f32 [tilespmem:s10], [sflag:$0x1], $0x1, s26, s9, $0xb8;
	[tilespmem:$0x2E10] =	vst v63  }
0x14f: {  	_ =	swait.ge [sflag:s5], $0x200  }
0x150: {  	[sflag:s5] =	ssyncset.done $0x0  }
0x151: {  	[sflag:s5] =	ssyncadd.s32 $0xFFFFFE00  }
0x152: {  	[spmem:s1] =	stream.indirect.scatter.add.f32 [tilespmem:s10], [sflag:$0x1], $0x1, s28, s9, $0xb8;
	[tilespmem:$0x2E10] =	vst v63  }
0x153: {  	_ =	swait.ge [sflag:s5], $0x200  }
0x154: {  	[sflag:s5] =	ssyncset.done $0x0  }
0x155: {  	[sflag:s5] =	ssyncadd.s32 $0xFFFFFE00  }
0x156: {  	[spmem:s1] =	stream.indirect.scatter.add.f32 [tilespmem:s10], [sflag:$0x1], $0x1, s8, s29, $0xb8;
	[tilespmem:$0x2E10] =	vst v63  }
0x157: {  	_ =	swait.ge [sflag:s5], $0x110  }
0x158: {  	[sflag:s5] =	ssyncset.done $0x0  }
0x159: {  	[sflag:s5] =	ssyncadd.s32 $0xFFFFFEF0  }
0x15a: {  	[bflag:$0x0] =	sbarrier.arrive $0xFFFF  }
0x15b: {  	[tilespmem:s6], [sflag:$0x1] =	stream.linear.gather [spmem:s4], $0x280, $0x38;
	[tilespmem:$0x2E10] =	vst v63  }
0x15c: {  	p0 =	sne.s32 s31, $0x1;
	_ =	swait.ge [sflag:s5], $0x280  }
.Ltmp1:
0x15d: {  	[sflag:s5] =	ssyncset.done $0x0;
	(pc) =	sbr.rel @p0 .LBB2_1-.Ltmp1, $4  }
0x15e: {  	[sflag:s5] =	ssyncadd.s32 $0xFFFFFD80  }
0x15f: {  	[hbm4b:s30+s2] =	stream.linear.scatter [tilespmem:s6], [sflag:$0x1], $0x280, $0x38;
	[tilespmem:$0x2E10] =	vst v63  }
0x160: {  	_ =	swait.ge [sflag:s5], $0x280  }
0x161: {  	s31 =	sadd.s32 $0xFFFFFFFF, s31;
	[sflag:s5] =	ssyncset.done $0x0  }
.LBB2_2:
0x162: {  	[sflag:s5] =	ssyncadd.s32 $0xFFFFFD80  }
0x163: {  	_ =	sfence.sel $0x180000  }
0x164: {  	[bflag:$0x0] =	sbarrier.arrive $0xFFFF  }
0x165: {  	_ =	strace $0x90000047  }
0x166: {  	s0 =	stileid.u32;
	[bflag:$0x2] =	sbarrier.arrive $0xFFFF  }
0x167: {  	p0 =	sne.s32 s0, $0x0;
	s0 =	rddreg [dreg:$0x3]  }
0x168: {  	s0 =	sadd.s32 @!p0 $0x100000, s0  }
0x169: {  	[sflag:s0] =	ssyncadd.tile.s32 @!p0 $0x1;
	_ =	shalt  }
.Lfunc_end2:
_tile_overlayer_lowered:
.L_overlay_start_2:
0x16a: {  	(tag) =	ssettag $0x2  }
0x16b: {  	s0 =	rddreg [dreg:$0x0];
	s2 =	stileid.u32  }
0x16c: {  	s1 =	rddreg [dreg:$0x1];
	p0 =	sne.s32 s2, $0x0  }
0x16d: {  	s3 =	rddreg [dreg:$0x2];
	[bflag:$0x3] =	sbarrier.arrive $0xFFFF;
	s2 =	simm.s32 @!p0 $0x1C01  }
0x16e: {  	[timem:s3], [sflag:s2] =	dma.local @!p0 [hbm:s0], s1  }
0x16f: {  	s0 =	simm.s32 @!p0 $0x1  }
0x170: {  	_ =	swait.ge @!p0 [sflag:s0], s1  }
0x171: {  	s1 =	ssub.s32 @!p0 $0x0, s1;
	[sflag:s0] =	ssyncset.done @!p0 $0x0  }
0x172: {  	[sflag:s0] =	ssyncadd.s32 @!p0 s1  }
0x173: {  	[bflag:$0x3] =	sbarrier.arrive $0xFFFF  }
0x174: {  	_ =	shalt  }

</sc_bundles>
